<compile_context>
chip_gen: v7x
topology: tpu7x:2x2x1
jax: 0.10.2.dev20260603
libtpu: 0.0.44.dev20260713+nightly
codegen_flags: <defaults>
</compile_context>

<pallas_src>
import functools

import jax
import jax.numpy as jnp
from jax import lax
from jax.experimental import pallas as pl
from jax.experimental.pallas import tpu as pltpu
from jax.experimental.pallas import tpu_sc as plsc

_K = 256.0
_B = 64
_T = 32768
_L = 16

_NC, _NS = 2, 16

_SC_ROWS = 8
_RPC = _SC_ROWS // _NC
_WPR = _NS // _RPC
_SEG = _T // _WPR
_NCH = _SEG // _L
_TC_ROWS = _B - _SC_ROWS


def _sigmoid(x, it):
    return 1.0 / (1.0 + jnp.exp(-(x * it)))


def _sc_body(scores_hbm, invt_hbm, out_hbm, x_v, y_v, o_v, it_v, tmp_v,
             shared, sem):
    c = lax.axis_index("c")
    s = lax.axis_index("s")
    row_local = s // _WPR
    seg = s % _WPR
    r_out = c * _RPC + row_local
    r_in = _TC_ROWS + r_out
    start = seg * _SEG
    hstart = (start + _SEG) & (_T - 1)

    pltpu.sync_copy(invt_hbm, it_v)
    it = it_v[...]

    pltpu.sync_copy(scores_hbm.at[pl.ds(r_in * _T + start, _SEG)],
                    x_v.at[pl.ds(0, _SEG)])
    h_off = pl.multiple_of(r_in * _T + hstart, 8)
    pltpu.sync_copy(scores_hbm.at[pl.ds(h_off, _L)],
                    x_v.at[pl.ds(_SEG, _L)])

    def pass1(ch, acc):
        y = _sigmoid(x_v[pl.ds(ch * _L, _L)], it)
        y_v[pl.ds(ch * _L, _L)] = y
        return acc + y

    acc = lax.fori_loop(0, _NCH, pass1, jnp.zeros((_L,), jnp.float32))
    y_v[pl.ds(_SEG, _L)] = _sigmoid(x_v[pl.ds(_SEG, _L)], it)

    tmp_v[...] = acc
    pltpu.sync_copy(tmp_v, shared.at[8 + s])
    plsc.subcore_barrier()
    sum_v = jnp.zeros((_L,), jnp.float32)
    for k in range(_WPR):
        pltpu.sync_copy(shared.at[8 + row_local * _WPR + k], tmp_v)
        sum_v = sum_v + tmp_v[...]
    total = sum_v[0]
    for j in range(1, _L):
        total = total + sum_v[j]
    total_v = jnp.broadcast_to(total, (_L,))
    scale = jnp.minimum(_K / jnp.maximum(total_v, 1e-6), 1.0)

    def pass2(ch, carry):
        base = ch * _L
        y0 = y_v[pl.ds(base, _L)] * scale
        y1 = y_v[pl.ds(base + 1, _L)] * scale
        y2 = y_v[pl.ds(base + 2, _L)] * scale
        y3 = y_v[pl.ds(base + 3, _L)] * scale
        z0 = y0 * jnp.minimum(2.0 / (1.0 + y0 + y1), 1.0)
        z2 = y2 * jnp.minimum(2.0 / (1.0 + y2 + y3), 1.0)
        w = z0 * jnp.minimum(2.0 / (1.0 + z0 + z2), 1.0)
        o_v[pl.ds(base, _L)] = w
        return carry

    lax.fori_loop(0, _NCH, pass2, jnp.int32(0))

    @pl.when(seg == 0)
    def _():
        lane = lax.iota(jnp.int32, _L)
        o_v[pl.ds(0, _L)] = jnp.where(lane == 0, 0.0, o_v[pl.ds(0, _L)])

    pltpu.sync_copy(o_v, out_hbm.at[pl.ds(r_out * _T + start, _SEG)])


def _sc_call(scores, inv_temp_vec):
    f = functools.partial(
        pl.kernel,
        mesh=plsc.VectorSubcoreMesh(core_axis_name="c", subcore_axis_name="s"),
        out_type=jax.ShapeDtypeStruct((_SC_ROWS * _T,), jnp.float32),
        scratch_types=[
            pltpu.VMEM((_SEG + _L,), jnp.float32),
            pltpu.VMEM((_SEG + _L,), jnp.float32),
            pltpu.VMEM((_SEG,), jnp.float32),
            pltpu.VMEM((_L,), jnp.float32),
            pltpu.VMEM((_L,), jnp.float32),
            pltpu.VMEM_SHARED((_NS + 8, _L), jnp.float32),
            pltpu.SemaphoreType.DMA,
        ],
    )(_sc_body)
    return f(scores, inv_temp_vec)


_TC_BLOCK = 8


def _tc_body(scale_ref, x_ref, o_ref):
    inv_temp = scale_ref[0]
    y = jax.nn.sigmoid(x_ref[...] * inv_temp)
    budget = jnp.clip(jnp.sum(y, axis=1, keepdims=True), 1e-6, None)
    y = y * jnp.minimum(_K / budget, 1.0)
    for d in (1, 2):
        shifted = pltpu.roll(y, shift=_T - d, axis=1)
        y = y * jnp.minimum(2.0 / (1.0 + y + shifted), 1.0)
    col = jax.lax.broadcasted_iota(jnp.int32, y.shape, 1)
    o_ref[...] = jnp.where(col == 0, 0.0, y)


def _tc_call(scores, inv_temp_smem):
    return pl.pallas_call(
        _tc_body,
        grid=(_TC_ROWS // _TC_BLOCK,),
        in_specs=[
            pl.BlockSpec(memory_space=pltpu.SMEM),
            pl.BlockSpec((_TC_BLOCK, _T), lambda i: (i, 0)),
        ],
        out_specs=pl.BlockSpec((_TC_BLOCK, _T), lambda i: (i, 0)),
        out_shape=jax.ShapeDtypeStruct((_B, _T), jnp.float32),
        compiler_params=pltpu.CompilerParams(
            dimension_semantics=("arbitrary",),
        ),
    )(inv_temp_smem, scores)


@jax.jit
def kernel(scores, log_temperature):
    temp = jnp.clip(jnp.exp(log_temperature), 0.1, 10.0)
    inv_temp = (1.0 / temp).astype(jnp.float32)
    sc_out = _sc_call(scores.reshape(-1), jnp.broadcast_to(inv_temp, (_L,)))
    tc_out = _tc_call(scores, inv_temp.reshape(1))
    return lax.dynamic_update_slice(
        tc_out, sc_out.reshape(_SC_ROWS, _T), (_TC_ROWS, 0))

# --- scband reference (transcript-rebuilt; emitter-appended) ---
"""Pipeline reference for scband-differentiable-selector-7705171329190 (READ-ONLY COPY).

The authoritative reference and input builder live on the scoring server;
editing this copy changes nothing except your own understanding.
"""

import jax, jax.numpy as jnp
import numpy as np

K = 256
R = 2

def setup_inputs(seed: int = 0) -> dict:
    key = jax.random.key(seed)
    k1, k2 = jax.random.split(key)
    scores = jax.random.normal(k1, (64, 32768), dtype=jnp.float32)
    # learned parameter: log_temperature, init_temperature=1.0 -> log(1.0)=0.0
    log_temperature = jnp.array(0.0, dtype=jnp.float32)
    return {"scores": scores, "log_temperature": log_temperature}

def reference(scores, log_temperature):
    B, T = scores.shape
    temp = jnp.clip(jnp.exp(log_temperature), 0.1, 10.0)
    logits = scores / temp
    y = jax.nn.sigmoid(logits)
    budget = jnp.clip(jnp.sum(y, axis=1, keepdims=True), 1e-06, None)
    scale = jnp.minimum(K / budget, 1.0)
    y = y * scale
    if R > 0:
        for d in range(1, min(R + 1, T)):
            shift = jnp.roll(y, shift=-d, axis=1)
            pair_sum = y + shift
            damping = jnp.minimum(2.0 / (1.0 + pair_sum), 1.0)
            y = y * damping
    y = y.at[:, 0].set(0.0)
    return y

if __name__ == "__main__":
    import jax
    _d = setup_inputs()
    print(jax.jit(kernel)(*tuple(_d.values())))

</pallas_src>

<mosaic_0001>
#map = affine_map<(d0, d1) -> (0)>
module attributes {stable_mosaic.version = 14 : i64} {
  func.func @_sc_body(%arg0: i32, %arg1: i32, %arg2: memref<2097152xf32, #tpu.memory_space<hbm>>, %arg3: memref<16xf32, #tpu.memory_space<hbm>>, %arg4: memref<262144xf32, #tpu.memory_space<hbm>>, %arg5: memref<8208xf32, #tpu.memory_space<vmem>>, %arg6: memref<8208xf32, #tpu.memory_space<vmem>>, %arg7: memref<8192xf32, #tpu.memory_space<vmem>>, %arg8: memref<16xf32, #tpu.memory_space<vmem>>, %arg9: memref<16xf32, #tpu.memory_space<vmem>>, %arg10: memref<24x16xf32, #tpu.memory_space<vmem_shared>>, %arg11: memref<!tpu.dma_semaphore, #tpu.memory_space<semaphore_mem>>) attributes {dimension_semantics = [#tpu.dimension_semantics<core_parallel>, #tpu.dimension_semantics<subcore_parallel>], iteration_bounds = array<i64: 2, 16>, scalar_prefetch = 0 : i64, scratch_operands = 7 : i64, tpu.core_type = #tpu.core_type<sc_vector_subcore>, window_params = [{transform_indices = #map}, {transform_indices = #map}, {transform_indices = #map}]} {
    %jit3A = arith.constant 4 : i32
    %div3A = arith.divsi %arg1, %jit3A : i32
    %sign3A = arith.constant 0 : i32
    %sign3A_0 = arith.cmpi sgt, %arg1, %sign3A : i32
    %sign3A_1 = arith.extui %sign3A_0 : i1 to i32
    %sign3A_2 = arith.constant 0 : i32
    %sign3A_3 = arith.cmpi slt, %arg1, %sign3A_2 : i32
    %sign3A_4 = arith.extui %sign3A_3 : i1 to i32
    %sign3A_5 = arith.subi %sign3A_1, %sign3A_4 : i32
    %sign3A_6 = arith.constant 0 : i32
    %sign3A_7 = arith.cmpi sgt, %jit3A, %sign3A_6 : i32
    %sign3A_8 = arith.extui %sign3A_7 : i1 to i32
    %sign3A_9 = arith.constant 0 : i32
    %sign3A_10 = arith.cmpi slt, %jit3A, %sign3A_9 : i32
    %sign3A_11 = arith.extui %sign3A_10 : i1 to i32
    %sign3A_12 = arith.subi %sign3A_8, %sign3A_11 : i32
    %ne3A = arith.cmpi ne, %sign3A_5, %sign3A_12 : i32
    %rem3A = arith.remsi %arg1, %jit3A : i32
    %ne3A_13 = arith.constant 0 : i32
    %ne3A_14 = arith.cmpi ne, %rem3A, %ne3A_13 : i32
    %and3A = arith.andi %ne3A, %ne3A_14 : i1
    %sub3A = arith.constant 1 : i32
    %sub3A_15 = arith.subi %div3A, %sub3A : i32
    %select_n3A = arith.select %and3A, %sub3A_15, %div3A : i32
    %jit3A_16 = arith.constant 4 : i32
    %eq3A = arith.constant 0 : i32
    %eq3A_17 = arith.cmpi eq, %jit3A_16, %eq3A : i32
    %jit3A_18 = arith.constant 1 : i32
    %select_n3A_19 = arith.select %eq3A_17, %jit3A_18, %jit3A_16 : i32
    %rem3A_20 = arith.remsi %arg1, %select_n3A_19 : i32
    %ne3A_21 = arith.constant 0 : i32
    %ne3A_22 = arith.cmpi ne, %rem3A_20, %ne3A_21 : i32
    %lt3A = arith.constant 0 : i32
    %lt3A_23 = arith.cmpi slt, %rem3A_20, %lt3A : i32
    %lt3A_24 = arith.constant 0 : i32
    %lt3A_25 = arith.cmpi slt, %select_n3A_19, %lt3A_24 : i32
    %ne3A_26 = arith.xori %lt3A_23, %lt3A_25 : i1
    %and3A_27 = arith.andi %ne3A_26, %ne3A_22 : i1
    %add3A = arith.addi %rem3A_20, %select_n3A_19 : i32
    %select_n3A_28 = arith.select %and3A_27, %add3A, %rem3A_20 : i32
    %mul3A = arith.constant 4 : i32
    %mul3A_29 = arith.muli %arg0, %mul3A : i32
    %add3A_30 = arith.addi %mul3A_29, %select_n3A : i32
    %add3A_31 = arith.constant 56 : i32
    %add3A_32 = arith.addi %add3A_31, %add3A_30 : i32
    %mul3A_33 = arith.constant 8192 : i32
    %mul3A_34 = arith.muli %select_n3A_28, %mul3A_33 : i32
    %add3A_35 = arith.constant 8192 : i32
    %add3A_36 = arith.addi %mul3A_34, %add3A_35 : i32
    %and3A_37 = arith.constant 32767 : i32
    %and3A_38 = arith.andi %add3A_36, %and3A_37 : i32
    "tpu.region"() ({
      %run_scoped3A = tpu.sem_alloc : memref<!tpu.dma_semaphore, #tpu.memory_space<semaphore_mem>>
      tpu.enqueue_dma source(%arg3 : memref<16xf32, #tpu.memory_space<hbm>>) target(%arg8 : memref<16xf32, #tpu.memory_space<vmem>>) target_semaphore(%run_scoped3A : memref<!tpu.dma_semaphore, #tpu.memory_space<semaphore_mem>>)
      tpu.wait_dma2 semaphore(%run_scoped3A : memref<!tpu.dma_semaphore, #tpu.memory_space<semaphore_mem>>) src(%arg3 : memref<16xf32, #tpu.memory_space<hbm>>) dst(%arg8 : memref<16xf32, #tpu.memory_space<vmem>>)
      tpu.yield
    }) : () -> ()
    %get3A = arith.constant 0 : index
    %get3A_39 = tpu.vector_load %arg8[%get3A] {strides = array<i32>} : memref<16xf32, #tpu.memory_space<vmem>>, vector<16xf32>,
    %get3A_40 = vector.shape_cast %get3A_39 : vector<16xf32> to vector<16xf32>
    %mul3A_41 = arith.constant 32768 : i32
    %mul3A_42 = arith.muli %add3A_32, %mul3A_41 : i32
    %add3A_43 = arith.addi %mul3A_42, %mul3A_34 : i32
    "tpu.region"() ({
      %run_scoped3A = tpu.sem_alloc : memref<!tpu.dma_semaphore, #tpu.memory_space<semaphore_mem>>
      %dma_start3A = arith.constant 0 : i32
      %dma_start3A_181 = tpu.memref_slice %arg5[%dma_start3A] : memref<8208xf32, #tpu.memory_space<vmem>> -> memref<8192xf32, #tpu.memory_space<vmem>>
      %dma_start3A_182 = tpu.memref_slice %arg2[%add3A_43] : memref<2097152xf32, #tpu.memory_space<hbm>> -> memref<8192xf32, #tpu.memory_space<hbm>>
      %dma_start3A_183 = arith.constant 0 : i32
      %dma_start3A_184 = tpu.memref_slice %arg5[%dma_start3A_183] : memref<8208xf32, #tpu.memory_space<vmem>> -> memref<8192xf32, #tpu.memory_space<vmem>>
      %dma_start3A_185 = tpu.memref_slice %arg2[%add3A_43] : memref<2097152xf32, #tpu.memory_space<hbm>> -> memref<8192xf32, #tpu.memory_space<hbm>>
      tpu.enqueue_dma source(%dma_start3A_185 : memref<8192xf32, #tpu.memory_space<hbm>>) target(%dma_start3A_184 : memref<8192xf32, #tpu.memory_space<vmem>>) target_semaphore(%run_scoped3A : memref<!tpu.dma_semaphore, #tpu.memory_space<semaphore_mem>>)
      %dma_wait3A = arith.constant 0 : i32
      %dma_wait3A_186 = tpu.memref_slice %arg5[%dma_wait3A] : memref<8208xf32, #tpu.memory_space<vmem>> -> memref<8192xf32, #tpu.memory_space<vmem>>
      %dma_wait3A_187 = tpu.memref_slice %arg2[%add3A_43] : memref<2097152xf32, #tpu.memory_space<hbm>> -> memref<8192xf32, #tpu.memory_space<hbm>>
      %dma_wait3A_188 = arith.constant 0 : i32
      %dma_wait3A_189 = tpu.memref_slice %arg5[%dma_wait3A_188] : memref<8208xf32, #tpu.memory_space<vmem>> -> memref<8192xf32, #tpu.memory_space<vmem>>
      %dma_wait3A_190 = tpu.memref_slice %arg2[%add3A_43] : memref<2097152xf32, #tpu.memory_space<hbm>> -> memref<8192xf32, #tpu.memory_space<hbm>>
      tpu.wait_dma2 semaphore(%run_scoped3A : memref<!tpu.dma_semaphore, #tpu.memory_space<semaphore_mem>>) src(%dma_wait3A_190 : memref<8192xf32, #tpu.memory_space<hbm>>) dst(%dma_wait3A_189 : memref<8192xf32, #tpu.memory_space<vmem>>)
      tpu.yield
    }) : () -> ()
    %mul3A_44 = arith.constant 32768 : i32
    %mul3A_45 = arith.muli %add3A_32, %mul3A_44 : i32
    %add3A_46 = arith.addi %mul3A_45, %and3A_38 : i32
    %multiple_of3A = tpu.assume_multiple %add3A_46, 8 : i32
    "tpu.region"() ({
      %run_scoped3A = tpu.sem_alloc : memref<!tpu.dma_semaphore, #tpu.memory_space<semaphore_mem>>
      %dma_start3A = arith.constant 8192 : i32
      %dma_start3A_181 = tpu.memref_slice %arg5[%dma_start3A] : memref<8208xf32, #tpu.memory_space<vmem>> -> memref<16xf32, #tpu.memory_space<vmem>>
      %dma_start3A_182 = tpu.memref_slice %arg2[%multiple_of3A] : memref<2097152xf32, #tpu.memory_space<hbm>> -> memref<16xf32, #tpu.memory_space<hbm>>
      %dma_start3A_183 = arith.constant 8192 : i32
      %dma_start3A_184 = tpu.memref_slice %arg5[%dma_start3A_183] : memref<8208xf32, #tpu.memory_space<vmem>> -> memref<16xf32, #tpu.memory_space<vmem>>
      %dma_start3A_185 = tpu.memref_slice %arg2[%multiple_of3A] : memref<2097152xf32, #tpu.memory_space<hbm>> -> memref<16xf32, #tpu.memory_space<hbm>>
      tpu.enqueue_dma source(%dma_start3A_185 : memref<16xf32, #tpu.memory_space<hbm>>) target(%dma_start3A_184 : memref<16xf32, #tpu.memory_space<vmem>>) target_semaphore(%run_scoped3A : memref<!tpu.dma_semaphore, #tpu.memory_space<semaphore_mem>>)
      %dma_wait3A = arith.constant 8192 : i32
      %dma_wait3A_186 = tpu.memref_slice %arg5[%dma_wait3A] : memref<8208xf32, #tpu.memory_space<vmem>> -> memref<16xf32, #tpu.memory_space<vmem>>
      %dma_wait3A_187 = tpu.memref_slice %arg2[%multiple_of3A] : memref<2097152xf32, #tpu.memory_space<hbm>> -> memref<16xf32, #tpu.memory_space<hbm>>
      %dma_wait3A_188 = arith.constant 8192 : i32
      %dma_wait3A_189 = tpu.memref_slice %arg5[%dma_wait3A_188] : memref<8208xf32, #tpu.memory_space<vmem>> -> memref<16xf32, #tpu.memory_space<vmem>>
      %dma_wait3A_190 = tpu.memref_slice %arg2[%multiple_of3A] : memref<2097152xf32, #tpu.memory_space<hbm>> -> memref<16xf32, #tpu.memory_space<hbm>>
      tpu.wait_dma2 semaphore(%run_scoped3A : memref<!tpu.dma_semaphore, #tpu.memory_space<semaphore_mem>>) src(%dma_wait3A_190 : memref<16xf32, #tpu.memory_space<hbm>>) dst(%dma_wait3A_189 : memref<16xf32, #tpu.memory_space<vmem>>)
      tpu.yield
    }) : () -> ()
    %broadcast_in_dim3A = arith.constant 0.000000e+00 : f32
    %broadcast_in_dim3A_47 = vector.broadcast %broadcast_in_dim3A : f32 to vector<16xf32>
    %scan3A = arith.constant 0 : i32
    %scan3A_48 = arith.constant 512 : i32
    %scan3A_49 = arith.addi %scan3A, %scan3A_48 : i32
    %scan3A_50 = arith.constant 1 : i32
    %scan3A_51 = scf.for %scan3A_181 = %scan3A to %scan3A_49 step %scan3A_50 iter_args(%scan3A_182 = %broadcast_in_dim3A_47) -> (vector<16xf32>)  : i32 {
      %mul3A_183 = arith.constant 16 : i32
      %mul3A_184 = arith.muli %scan3A_181, %mul3A_183 : i32
      %get3A_185 = arith.index_cast %mul3A_184 : i32 to index
      %get3A_186 = tpu.vector_load %arg5[%get3A_185] {strides = array<i32>} : memref<8208xf32, #tpu.memory_space<vmem>>, vector<16xf32>,
      %get3A_187 = vector.shape_cast %get3A_186 : vector<16xf32> to vector<16xf32>
      %mul3A_188 = arith.mulf %get3A_187, %get3A_40 : vector<16xf32>
      %neg3A_189 = arith.constant 0.000000e+00 : f32
      %neg3A_190 = vector.broadcast %neg3A_189 : f32 to vector<16xf32>
      %neg3A_191 = arith.subf %neg3A_190, %mul3A_188 : vector<16xf32>
      %exp3A_192 = math.exp %neg3A_191 : vector<16xf32>
      %add3A_193 = arith.constant 1.000000e+00 : f32
      %add3A_194 = vector.broadcast %add3A_193 : f32 to vector<16xf32>
      %add3A_195 = arith.addf %add3A_194, %exp3A_192 : vector<16xf32>
      %div3A_196 = arith.constant 1.000000e+00 : f32
      %div3A_197 = vector.broadcast %div3A_196 : f32 to vector<16xf32>
      %div3A_198 = arith.divf %div3A_197, %add3A_195 : vector<16xf32>
      %mul3A_199 = arith.constant 16 : i32
      %mul3A_200 = arith.muli %scan3A_181, %mul3A_199 : i32
      %swap3A_201 = arith.index_cast %mul3A_200 : i32 to index
      %swap3A_202 = tpu.vector_load %arg6[%swap3A_201] {strides = array<i32>} : memref<8208xf32, #tpu.memory_space<vmem>>, vector<16xf32>,
      %swap3A_203 = vector.shape_cast %swap3A_202 : vector<16xf32> to vector<16xf32>
      %swap3A_204 = vector.shape_cast %div3A_198 : vector<16xf32> to vector<16xf32>
      tpu.vector_store %arg6[%swap3A_201], %swap3A_204 {strides = array<i32>} : memref<8208xf32, #tpu.memory_space<vmem>>, vector<16xf32>,
      %add3A_205 = arith.addf %scan3A_182, %div3A_198 : vector<16xf32>
      scf.yield %add3A_205 : vector<16xf32>
    }
    %scan3A_52 = arith.constant 512 : i32
    %get3A_53 = arith.constant 8192 : index
    %get3A_54 = tpu.vector_load %arg5[%get3A_53] {strides = array<i32>} : memref<8208xf32, #tpu.memory_space<vmem>>, vector<16xf32>,
    %get3A_55 = vector.shape_cast %get3A_54 : vector<16xf32> to vector<16xf32>
    %mul3A_56 = arith.mulf %get3A_55, %get3A_40 : vector<16xf32>
    %neg3A = arith.constant 0.000000e+00 : f32
    %neg3A_57 = vector.broadcast %neg3A : f32 to vector<16xf32>
    %neg3A_58 = arith.subf %neg3A_57, %mul3A_56 : vector<16xf32>
    %exp3A = math.exp %neg3A_58 : vector<16xf32>
    %add3A_59 = arith.constant 1.000000e+00 : f32
    %add3A_60 = vector.broadcast %add3A_59 : f32 to vector<16xf32>
    %add3A_61 = arith.addf %add3A_60, %exp3A : vector<16xf32>
    %div3A_62 = arith.constant 1.000000e+00 : f32
    %div3A_63 = vector.broadcast %div3A_62 : f32 to vector<16xf32>
    %div3A_64 = arith.divf %div3A_63, %add3A_61 : vector<16xf32>
    %swap3A = arith.constant 8192 : index
    %swap3A_65 = tpu.vector_load %arg6[%swap3A] {strides = array<i32>} : memref<8208xf32, #tpu.memory_space<vmem>>, vector<16xf32>,
    %swap3A_66 = vector.shape_cast %swap3A_65 : vector<16xf32> to vector<16xf32>
    %swap3A_67 = vector.shape_cast %div3A_64 : vector<16xf32> to vector<16xf32>
    tpu.vector_store %arg6[%swap3A], %swap3A_67 {strides = array<i32>} : memref<8208xf32, #tpu.memory_space<vmem>>, vector<16xf32>,
    %swap3A_68 = arith.constant 0 : index
    %swap3A_69 = tpu.vector_load %arg9[%swap3A_68] {strides = array<i32>} : memref<16xf32, #tpu.memory_space<vmem>>, vector<16xf32>,
    %swap3A_70 = vector.shape_cast %swap3A_69 : vector<16xf32> to vector<16xf32>
    %swap3A_71 = vector.shape_cast %scan3A_51 : vector<16xf32> to vector<16xf32>
    tpu.vector_store %arg9[%swap3A_68], %swap3A_71 {strides = array<i32>} : memref<16xf32, #tpu.memory_space<vmem>>, vector<16xf32>,
    %add3A_72 = arith.constant 8 : i32
    %add3A_73 = arith.addi %add3A_72, %arg1 : i32
    "tpu.region"() ({
      %run_scoped3A = tpu.sem_alloc : memref<!tpu.dma_semaphore, #tpu.memory_space<semaphore_mem>>
      %dma_start3A = arith.constant 0 : i32
      %dma_start3A_181 = tpu.memref_slice %arg10[%add3A_73, %dma_start3A] : memref<24x16xf32, #tpu.memory_space<vmem_shared>> -> memref<1x16xf32, #tpu.memory_space<vmem_shared>>
      %dma_start3A_182 = tpu.memref_squeeze %dma_start3A_181 : memref<1x16xf32, #tpu.memory_space<vmem_shared>> -> memref<16xf32, #tpu.memory_space<vmem_shared>>
      %dma_start3A_183 = arith.constant 0 : i32
      %dma_start3A_184 = tpu.memref_slice %arg10[%add3A_73, %dma_start3A_183] : memref<24x16xf32, #tpu.memory_space<vmem_shared>> -> memref<1x16xf32, #tpu.memory_space<vmem_shared>>
      %dma_start3A_185 = tpu.memref_squeeze %dma_start3A_184 : memref<1x16xf32, #tpu.memory_space<vmem_shared>> -> memref<16xf32, #tpu.memory_space<vmem_shared>>
      tpu.enqueue_dma source(%arg9 : memref<16xf32, #tpu.memory_space<vmem>>) target(%dma_start3A_185 : memref<16xf32, #tpu.memory_space<vmem_shared>>) target_semaphore(%run_scoped3A : memref<!tpu.dma_semaphore, #tpu.memory_space<semaphore_mem>>)
      %dma_wait3A = arith.constant 0 : i32
      %dma_wait3A_186 = tpu.memref_slice %arg10[%add3A_73, %dma_wait3A] : memref<24x16xf32, #tpu.memory_space<vmem_shared>> -> memref<1x16xf32, #tpu.memory_space<vmem_shared>>
      %dma_wait3A_187 = tpu.memref_squeeze %dma_wait3A_186 : memref<1x16xf32, #tpu.memory_space<vmem_shared>> -> memref<16xf32, #tpu.memory_space<vmem_shared>>
      %dma_wait3A_188 = arith.constant 0 : i32
      %dma_wait3A_189 = tpu.memref_slice %arg10[%add3A_73, %dma_wait3A_188] : memref<24x16xf32, #tpu.memory_space<vmem_shared>> -> memref<1x16xf32, #tpu.memory_space<vmem_shared>>
      %dma_wait3A_190 = tpu.memref_squeeze %dma_wait3A_189 : memref<1x16xf32, #tpu.memory_space<vmem_shared>> -> memref<16xf32, #tpu.memory_space<vmem_shared>>
      tpu.wait_dma2 semaphore(%run_scoped3A : memref<!tpu.dma_semaphore, #tpu.memory_space<semaphore_mem>>) src(%arg9 : memref<16xf32, #tpu.memory_space<vmem>>) dst(%dma_wait3A_190 : memref<16xf32, #tpu.memory_space<vmem_shared>>)
      tpu.yield
    }) : () -> ()
    %barrier3A = arith.constant 0 : index
    tpu.barrier barrier_id(%barrier3A)
    %broadcast_in_dim3A_74 = arith.constant 0.000000e+00 : f32
    %broadcast_in_dim3A_75 = vector.broadcast %broadcast_in_dim3A_74 : f32 to vector<16xf32>
    %mul3A_76 = arith.constant 4 : i32
    %mul3A_77 = arith.muli %select_n3A, %mul3A_76 : i32
    %add3A_78 = arith.constant 8 : i32
    %add3A_79 = arith.addi %add3A_78, %mul3A_77 : i32
    %add3A_80 = arith.constant 0 : i32
    %add3A_81 = arith.addi %add3A_79, %add3A_80 : i32
    "tpu.region"() ({
      %run_scoped3A = tpu.sem_alloc : memref<!tpu.dma_semaphore, #tpu.memory_space<semaphore_mem>>
      %dma_start3A = arith.constant 0 : i32
      %dma_start3A_181 = tpu.memref_slice %arg10[%add3A_81, %dma_start3A] : memref<24x16xf32, #tpu.memory_space<vmem_shared>> -> memref<1x16xf32, #tpu.memory_space<vmem_shared>>
      %dma_start3A_182 = tpu.memref_squeeze %dma_start3A_181 : memref<1x16xf32, #tpu.memory_space<vmem_shared>> -> memref<16xf32, #tpu.memory_space<vmem_shared>>
      %dma_start3A_183 = arith.constant 0 : i32
      %dma_start3A_184 = tpu.memref_slice %arg10[%add3A_81, %dma_start3A_183] : memref<24x16xf32, #tpu.memory_space<vmem_shared>> -> memref<1x16xf32, #tpu.memory_space<vmem_shared>>
      %dma_start3A_185 = tpu.memref_squeeze %dma_start3A_184 : memref<1x16xf32, #tpu.memory_space<vmem_shared>> -> memref<16xf32, #tpu.memory_space<vmem_shared>>
      tpu.enqueue_dma source(%dma_start3A_185 : memref<16xf32, #tpu.memory_space<vmem_shared>>) target(%arg9 : memref<16xf32, #tpu.memory_space<vmem>>) target_semaphore(%run_scoped3A : memref<!tpu.dma_semaphore, #tpu.memory_space<semaphore_mem>>)
      %dma_wait3A = arith.constant 0 : i32
      %dma_wait3A_186 = tpu.memref_slice %arg10[%add3A_81, %dma_wait3A] : memref<24x16xf32, #tpu.memory_space<vmem_shared>> -> memref<1x16xf32, #tpu.memory_space<vmem_shared>>
      %dma_wait3A_187 = tpu.memref_squeeze %dma_wait3A_186 : memref<1x16xf32, #tpu.memory_space<vmem_shared>> -> memref<16xf32, #tpu.memory_space<vmem_shared>>
      %dma_wait3A_188 = arith.constant 0 : i32
      %dma_wait3A_189 = tpu.memref_slice %arg10[%add3A_81, %dma_wait3A_188] : memref<24x16xf32, #tpu.memory_space<vmem_shared>> -> memref<1x16xf32, #tpu.memory_space<vmem_shared>>
      %dma_wait3A_190 = tpu.memref_squeeze %dma_wait3A_189 : memref<1x16xf32, #tpu.memory_space<vmem_shared>> -> memref<16xf32, #tpu.memory_space<vmem_shared>>
      tpu.wait_dma2 semaphore(%run_scoped3A : memref<!tpu.dma_semaphore, #tpu.memory_space<semaphore_mem>>) src(%dma_wait3A_190 : memref<16xf32, #tpu.memory_space<vmem_shared>>) dst(%arg9 : memref<16xf32, #tpu.memory_space<vmem>>)
      tpu.yield
    }) : () -> ()
    %get3A_82 = arith.constant 0 : index
    %get3A_83 = tpu.vector_load %arg9[%get3A_82] {strides = array<i32>} : memref<16xf32, #tpu.memory_space<vmem>>, vector<16xf32>,
    %get3A_84 = vector.shape_cast %get3A_83 : vector<16xf32> to vector<16xf32>
    %add3A_85 = arith.addf %broadcast_in_dim3A_75, %get3A_84 : vector<16xf32>
    %mul3A_86 = arith.constant 4 : i32
    %mul3A_87 = arith.muli %select_n3A, %mul3A_86 : i32
    %add3A_88 = arith.constant 8 : i32
    %add3A_89 = arith.addi %add3A_88, %mul3A_87 : i32
    %add3A_90 = arith.constant 1 : i32
    %add3A_91 = arith.addi %add3A_89, %add3A_90 : i32
    "tpu.region"() ({
      %run_scoped3A = tpu.sem_alloc : memref<!tpu.dma_semaphore, #tpu.memory_space<semaphore_mem>>
      %dma_start3A = arith.constant 0 : i32
      %dma_start3A_181 = tpu.memref_slice %arg10[%add3A_91, %dma_start3A] : memref<24x16xf32, #tpu.memory_space<vmem_shared>> -> memref<1x16xf32, #tpu.memory_space<vmem_shared>>
      %dma_start3A_182 = tpu.memref_squeeze %dma_start3A_181 : memref<1x16xf32, #tpu.memory_space<vmem_shared>> -> memref<16xf32, #tpu.memory_space<vmem_shared>>
      %dma_start3A_183 = arith.constant 0 : i32
      %dma_start3A_184 = tpu.memref_slice %arg10[%add3A_91, %dma_start3A_183] : memref<24x16xf32, #tpu.memory_space<vmem_shared>> -> memref<1x16xf32, #tpu.memory_space<vmem_shared>>
      %dma_start3A_185 = tpu.memref_squeeze %dma_start3A_184 : memref<1x16xf32, #tpu.memory_space<vmem_shared>> -> memref<16xf32, #tpu.memory_space<vmem_shared>>
      tpu.enqueue_dma source(%dma_start3A_185 : memref<16xf32, #tpu.memory_space<vmem_shared>>) target(%arg9 : memref<16xf32, #tpu.memory_space<vmem>>) target_semaphore(%run_scoped3A : memref<!tpu.dma_semaphore, #tpu.memory_space<semaphore_mem>>)
      %dma_wait3A = arith.constant 0 : i32
      %dma_wait3A_186 = tpu.memref_slice %arg10[%add3A_91, %dma_wait3A] : memref<24x16xf32, #tpu.memory_space<vmem_shared>> -> memref<1x16xf32, #tpu.memory_space<vmem_shared>>
      %dma_wait3A_187 = tpu.memref_squeeze %dma_wait3A_186 : memref<1x16xf32, #tpu.memory_space<vmem_shared>> -> memref<16xf32, #tpu.memory_space<vmem_shared>>
      %dma_wait3A_188 = arith.constant 0 : i32
      %dma_wait3A_189 = tpu.memref_slice %arg10[%add3A_91, %dma_wait3A_188] : memref<24x16xf32, #tpu.memory_space<vmem_shared>> -> memref<1x16xf32, #tpu.memory_space<vmem_shared>>
      %dma_wait3A_190 = tpu.memref_squeeze %dma_wait3A_189 : memref<1x16xf32, #tpu.memory_space<vmem_shared>> -> memref<16xf32, #tpu.memory_space<vmem_shared>>
      tpu.wait_dma2 semaphore(%run_scoped3A : memref<!tpu.dma_semaphore, #tpu.memory_space<semaphore_mem>>) src(%dma_wait3A_190 : memref<16xf32, #tpu.memory_space<vmem_shared>>) dst(%arg9 : memref<16xf32, #tpu.memory_space<vmem>>)
      tpu.yield
    }) : () -> ()
    %get3A_92 = arith.constant 0 : index
    %get3A_93 = tpu.vector_load %arg9[%get3A_92] {strides = array<i32>} : memref<16xf32, #tpu.memory_space<vmem>>, vector<16xf32>,
    %get3A_94 = vector.shape_cast %get3A_93 : vector<16xf32> to vector<16xf32>
    %add3A_95 = arith.addf %add3A_85, %get3A_94 : vector<16xf32>
    %mul3A_96 = arith.constant 4 : i32
    %mul3A_97 = arith.muli %select_n3A, %mul3A_96 : i32
    %add3A_98 = arith.constant 8 : i32
    %add3A_99 = arith.addi %add3A_98, %mul3A_97 : i32
    %add3A_100 = arith.constant 2 : i32
    %add3A_101 = arith.addi %add3A_99, %add3A_100 : i32
    "tpu.region"() ({
      %run_scoped3A = tpu.sem_alloc : memref<!tpu.dma_semaphore, #tpu.memory_space<semaphore_mem>>
      %dma_start3A = arith.constant 0 : i32
      %dma_start3A_181 = tpu.memref_slice %arg10[%add3A_101, %dma_start3A] : memref<24x16xf32, #tpu.memory_space<vmem_shared>> -> memref<1x16xf32, #tpu.memory_space<vmem_shared>>
      %dma_start3A_182 = tpu.memref_squeeze %dma_start3A_181 : memref<1x16xf32, #tpu.memory_space<vmem_shared>> -> memref<16xf32, #tpu.memory_space<vmem_shared>>
      %dma_start3A_183 = arith.constant 0 : i32
      %dma_start3A_184 = tpu.memref_slice %arg10[%add3A_101, %dma_start3A_183] : memref<24x16xf32, #tpu.memory_space<vmem_shared>> -> memref<1x16xf32, #tpu.memory_space<vmem_shared>>
      %dma_start3A_185 = tpu.memref_squeeze %dma_start3A_184 : memref<1x16xf32, #tpu.memory_space<vmem_shared>> -> memref<16xf32, #tpu.memory_space<vmem_shared>>
      tpu.enqueue_dma source(%dma_start3A_185 : memref<16xf32, #tpu.memory_space<vmem_shared>>) target(%arg9 : memref<16xf32, #tpu.memory_space<vmem>>) target_semaphore(%run_scoped3A : memref<!tpu.dma_semaphore, #tpu.memory_space<semaphore_mem>>)
      %dma_wait3A = arith.constant 0 : i32
      %dma_wait3A_186 = tpu.memref_slice %arg10[%add3A_101, %dma_wait3A] : memref<24x16xf32, #tpu.memory_space<vmem_shared>> -> memref<1x16xf32, #tpu.memory_space<vmem_shared>>
      %dma_wait3A_187 = tpu.memref_squeeze %dma_wait3A_186 : memref<1x16xf32, #tpu.memory_space<vmem_shared>> -> memref<16xf32, #tpu.memory_space<vmem_shared>>
      %dma_wait3A_188 = arith.constant 0 : i32
      %dma_wait3A_189 = tpu.memref_slice %arg10[%add3A_101, %dma_wait3A_188] : memref<24x16xf32, #tpu.memory_space<vmem_shared>> -> memref<1x16xf32, #tpu.memory_space<vmem_shared>>
      %dma_wait3A_190 = tpu.memref_squeeze %dma_wait3A_189 : memref<1x16xf32, #tpu.memory_space<vmem_shared>> -> memref<16xf32, #tpu.memory_space<vmem_shared>>
      tpu.wait_dma2 semaphore(%run_scoped3A : memref<!tpu.dma_semaphore, #tpu.memory_space<semaphore_mem>>) src(%dma_wait3A_190 : memref<16xf32, #tpu.memory_space<vmem_shared>>) dst(%arg9 : memref<16xf32, #tpu.memory_space<vmem>>)
      tpu.yield
    }) : () -> ()
    %get3A_102 = arith.constant 0 : index
    %get3A_103 = tpu.vector_load %arg9[%get3A_102] {strides = array<i32>} : memref<16xf32, #tpu.memory_space<vmem>>, vector<16xf32>,
    %get3A_104 = vector.shape_cast %get3A_103 : vector<16xf32> to vector<16xf32>
    %add3A_105 = arith.addf %add3A_95, %get3A_104 : vector<16xf32>
    %mul3A_106 = arith.constant 4 : i32
    %mul3A_107 = arith.muli %select_n3A, %mul3A_106 : i32
    %add3A_108 = arith.constant 8 : i32
    %add3A_109 = arith.addi %add3A_108, %mul3A_107 : i32
    %add3A_110 = arith.constant 3 : i32
    %add3A_111 = arith.addi %add3A_109, %add3A_110 : i32
    "tpu.region"() ({
      %run_scoped3A = tpu.sem_alloc : memref<!tpu.dma_semaphore, #tpu.memory_space<semaphore_mem>>
      %dma_start3A = arith.constant 0 : i32
      %dma_start3A_181 = tpu.memref_slice %arg10[%add3A_111, %dma_start3A] : memref<24x16xf32, #tpu.memory_space<vmem_shared>> -> memref<1x16xf32, #tpu.memory_space<vmem_shared>>
      %dma_start3A_182 = tpu.memref_squeeze %dma_start3A_181 : memref<1x16xf32, #tpu.memory_space<vmem_shared>> -> memref<16xf32, #tpu.memory_space<vmem_shared>>
      %dma_start3A_183 = arith.constant 0 : i32
      %dma_start3A_184 = tpu.memref_slice %arg10[%add3A_111, %dma_start3A_183] : memref<24x16xf32, #tpu.memory_space<vmem_shared>> -> memref<1x16xf32, #tpu.memory_space<vmem_shared>>
      %dma_start3A_185 = tpu.memref_squeeze %dma_start3A_184 : memref<1x16xf32, #tpu.memory_space<vmem_shared>> -> memref<16xf32, #tpu.memory_space<vmem_shared>>
      tpu.enqueue_dma source(%dma_start3A_185 : memref<16xf32, #tpu.memory_space<vmem_shared>>) target(%arg9 : memref<16xf32, #tpu.memory_space<vmem>>) target_semaphore(%run_scoped3A : memref<!tpu.dma_semaphore, #tpu.memory_space<semaphore_mem>>)
      %dma_wait3A = arith.constant 0 : i32
      %dma_wait3A_186 = tpu.memref_slice %arg10[%add3A_111, %dma_wait3A] : memref<24x16xf32, #tpu.memory_space<vmem_shared>> -> memref<1x16xf32, #tpu.memory_space<vmem_shared>>
      %dma_wait3A_187 = tpu.memref_squeeze %dma_wait3A_186 : memref<1x16xf32, #tpu.memory_space<vmem_shared>> -> memref<16xf32, #tpu.memory_space<vmem_shared>>
      %dma_wait3A_188 = arith.constant 0 : i32
      %dma_wait3A_189 = tpu.memref_slice %arg10[%add3A_111, %dma_wait3A_188] : memref<24x16xf32, #tpu.memory_space<vmem_shared>> -> memref<1x16xf32, #tpu.memory_space<vmem_shared>>
      %dma_wait3A_190 = tpu.memref_squeeze %dma_wait3A_189 : memref<1x16xf32, #tpu.memory_space<vmem_shared>> -> memref<16xf32, #tpu.memory_space<vmem_shared>>
      tpu.wait_dma2 semaphore(%run_scoped3A : memref<!tpu.dma_semaphore, #tpu.memory_space<semaphore_mem>>) src(%dma_wait3A_190 : memref<16xf32, #tpu.memory_space<vmem_shared>>) dst(%arg9 : memref<16xf32, #tpu.memory_space<vmem>>)
      tpu.yield
    }) : () -> ()
    %get3A_112 = arith.constant 0 : index
    %get3A_113 = tpu.vector_load %arg9[%get3A_112] {strides = array<i32>} : memref<16xf32, #tpu.memory_space<vmem>>, vector<16xf32>,
    %get3A_114 = vector.shape_cast %get3A_113 : vector<16xf32> to vector<16xf32>
    %add3A_115 = arith.addf %add3A_105, %get3A_114 : vector<16xf32>
    %slice3A = vector.extract_strided_slice %add3A_115 {offsets = [0], sizes = [1], strides = [1]} : vector<16xf32> to vector<1xf32>
    %squeeze3A = vector.extract %slice3A[0] : f32 from vector<1xf32>
    %slice3A_116 = vector.extract_strided_slice %add3A_115 {offsets = [1], sizes = [1], strides = [1]} : vector<16xf32> to vector<1xf32>
    %squeeze3A_117 = vector.extract %slice3A_116[0] : f32 from vector<1xf32>
    %add3A_118 = arith.addf %squeeze3A, %squeeze3A_117 : f32
    %slice3A_119 = vector.extract_strided_slice %add3A_115 {offsets = [2], sizes = [1], strides = [1]} : vector<16xf32> to vector<1xf32>
    %squeeze3A_120 = vector.extract %slice3A_119[0] : f32 from vector<1xf32>
    %add3A_121 = arith.addf %add3A_118, %squeeze3A_120 : f32
    %slice3A_122 = vector.extract_strided_slice %add3A_115 {offsets = [3], sizes = [1], strides = [1]} : vector<16xf32> to vector<1xf32>
    %squeeze3A_123 = vector.extract %slice3A_122[0] : f32 from vector<1xf32>
    %add3A_124 = arith.addf %add3A_121, %squeeze3A_123 : f32
    %slice3A_125 = vector.extract_strided_slice %add3A_115 {offsets = [4], sizes = [1], strides = [1]} : vector<16xf32> to vector<1xf32>
    %squeeze3A_126 = vector.extract %slice3A_125[0] : f32 from vector<1xf32>
    %add3A_127 = arith.addf %add3A_124, %squeeze3A_126 : f32
    %slice3A_128 = vector.extract_strided_slice %add3A_115 {offsets = [5], sizes = [1], strides = [1]} : vector<16xf32> to vector<1xf32>
    %squeeze3A_129 = vector.extract %slice3A_128[0] : f32 from vector<1xf32>
    %add3A_130 = arith.addf %add3A_127, %squeeze3A_129 : f32
    %slice3A_131 = vector.extract_strided_slice %add3A_115 {offsets = [6], sizes = [1], strides = [1]} : vector<16xf32> to vector<1xf32>
    %squeeze3A_132 = vector.extract %slice3A_131[0] : f32 from vector<1xf32>
    %add3A_133 = arith.addf %add3A_130, %squeeze3A_132 : f32
    %slice3A_134 = vector.extract_strided_slice %add3A_115 {offsets = [7], sizes = [1], strides = [1]} : vector<16xf32> to vector<1xf32>
    %squeeze3A_135 = vector.extract %slice3A_134[0] : f32 from vector<1xf32>
    %add3A_136 = arith.addf %add3A_133, %squeeze3A_135 : f32
    %slice3A_137 = vector.extract_strided_slice %add3A_115 {offsets = [8], sizes = [1], strides = [1]} : vector<16xf32> to vector<1xf32>
    %squeeze3A_138 = vector.extract %slice3A_137[0] : f32 from vector<1xf32>
    %add3A_139 = arith.addf %add3A_136, %squeeze3A_138 : f32
    %slice3A_140 = vector.extract_strided_slice %add3A_115 {offsets = [9], sizes = [1], strides = [1]} : vector<16xf32> to vector<1xf32>
    %squeeze3A_141 = vector.extract %slice3A_140[0] : f32 from vector<1xf32>
    %add3A_142 = arith.addf %add3A_139, %squeeze3A_141 : f32
    %slice3A_143 = vector.extract_strided_slice %add3A_115 {offsets = [10], sizes = [1], strides = [1]} : vector<16xf32> to vector<1xf32>
    %squeeze3A_144 = vector.extract %slice3A_143[0] : f32 from vector<1xf32>
    %add3A_145 = arith.addf %add3A_142, %squeeze3A_144 : f32
    %slice3A_146 = vector.extract_strided_slice %add3A_115 {offsets = [11], sizes = [1], strides = [1]} : vector<16xf32> to vector<1xf32>
    %squeeze3A_147 = vector.extract %slice3A_146[0] : f32 from vector<1xf32>
    %add3A_148 = arith.addf %add3A_145, %squeeze3A_147 : f32
    %slice3A_149 = vector.extract_strided_slice %add3A_115 {offsets = [12], sizes = [1], strides = [1]} : vector<16xf32> to vector<1xf32>
    %squeeze3A_150 = vector.extract %slice3A_149[0] : f32 from vector<1xf32>
    %add3A_151 = arith.addf %add3A_148, %squeeze3A_150 : f32
    %slice3A_152 = vector.extract_strided_slice %add3A_115 {offsets = [13], sizes = [1], strides = [1]} : vector<16xf32> to vector<1xf32>
    %squeeze3A_153 = vector.extract %slice3A_152[0] : f32 from vector<1xf32>
    %add3A_154 = arith.addf %add3A_151, %squeeze3A_153 : f32
    %slice3A_155 = vector.extract_strided_slice %add3A_115 {offsets = [14], sizes = [1], strides = [1]} : vector<16xf32> to vector<1xf32>
    %squeeze3A_156 = vector.extract %slice3A_155[0] : f32 from vector<1xf32>
    %add3A_157 = arith.addf %add3A_154, %squeeze3A_156 : f32
    %slice3A_158 = vector.extract_strided_slice %add3A_115 {offsets = [15], sizes = [1], strides = [1]} : vector<16xf32> to vector<1xf32>
    %squeeze3A_159 = vector.extract %slice3A_158[0] : f32 from vector<1xf32>
    %add3A_160 = arith.addf %add3A_157, %squeeze3A_159 : f32
    %broadcast_in_dim3A_161 = vector.broadcast %add3A_160 : f32 to vector<16xf32>
    %max3A = arith.constant 9.99999997E-7 : f32
    %max3A_162 = vector.broadcast %max3A : f32 to vector<16xf32>
    %max3A_163 = arith.maximumf %broadcast_in_dim3A_161, %max3A_162 : vector<16xf32>
    %div3A_164 = arith.constant 2.560000e+02 : f32
    %div3A_165 = vector.broadcast %div3A_164 : f32 to vector<16xf32>
    %div3A_166 = arith.divf %div3A_165, %max3A_163 : vector<16xf32>
    %min3A = arith.constant 1.000000e+00 : f32
    %min3A_167 = vector.broadcast %min3A : f32 to vector<16xf32>
    %min3A_168 = arith.minimumf %div3A_166, %min3A_167 : vector<16xf32>
    %scan3A_169 = arith.constant 0 : i32
    %scan3A_170 = arith.constant 0 : i32
    %scan3A_171 = arith.constant 512 : i32
    %scan3A_172 = arith.addi %scan3A_170, %scan3A_171 : i32
    %scan3A_173 = arith.constant 1 : i32
    scf.for %scan3A_181 = %scan3A_170 to %scan3A_172 step %scan3A_173  : i32 {
      %mul3A_182 = arith.constant 16 : i32
      %mul3A_183 = arith.muli %scan3A_181, %mul3A_182 : i32
      %get3A_184 = arith.index_cast %mul3A_183 : i32 to index
      %get3A_185 = tpu.vector_load %arg6[%get3A_184] {strides = array<i32>} : memref<8208xf32, #tpu.memory_space<vmem>>, vector<16xf32>,
      %get3A_186 = vector.shape_cast %get3A_185 : vector<16xf32> to vector<16xf32>
      %mul3A_187 = arith.mulf %get3A_186, %min3A_168 : vector<16xf32>
      %add3A_188 = arith.constant 1 : i32
      %add3A_189 = arith.addi %mul3A_183, %add3A_188 : i32
      %get3A_190 = arith.index_cast %add3A_189 : i32 to index
      %get3A_191 = tpu.vector_load %arg6[%get3A_190] {strides = array<i32>} : memref<8208xf32, #tpu.memory_space<vmem>>, vector<16xf32>,
      %get3A_192 = vector.shape_cast %get3A_191 : vector<16xf32> to vector<16xf32>
      %mul3A_193 = arith.mulf %get3A_192, %min3A_168 : vector<16xf32>
      %add3A_194 = arith.constant 2 : i32
      %add3A_195 = arith.addi %mul3A_183, %add3A_194 : i32
      %get3A_196 = arith.index_cast %add3A_195 : i32 to index
      %get3A_197 = tpu.vector_load %arg6[%get3A_196] {strides = array<i32>} : memref<8208xf32, #tpu.memory_space<vmem>>, vector<16xf32>,
      %get3A_198 = vector.shape_cast %get3A_197 : vector<16xf32> to vector<16xf32>
      %mul3A_199 = arith.mulf %get3A_198, %min3A_168 : vector<16xf32>
      %add3A_200 = arith.constant 3 : i32
      %add3A_201 = arith.addi %mul3A_183, %add3A_200 : i32
      %get3A_202 = arith.index_cast %add3A_201 : i32 to index
      %get3A_203 = tpu.vector_load %arg6[%get3A_202] {strides = array<i32>} : memref<8208xf32, #tpu.memory_space<vmem>>, vector<16xf32>,
      %get3A_204 = vector.shape_cast %get3A_203 : vector<16xf32> to vector<16xf32>
      %mul3A_205 = arith.mulf %get3A_204, %min3A_168 : vector<16xf32>
      %add3A_206 = arith.constant 1.000000e+00 : f32
      %add3A_207 = vector.broadcast %add3A_206 : f32 to vector<16xf32>
      %add3A_208 = arith.addf %add3A_207, %mul3A_187 : vector<16xf32>
      %add3A_209 = arith.addf %add3A_208, %mul3A_193 : vector<16xf32>
      %div3A_210 = arith.constant 2.000000e+00 : f32
      %div3A_211 = vector.broadcast %div3A_210 : f32 to vector<16xf32>
      %div3A_212 = arith.divf %div3A_211, %add3A_209 : vector<16xf32>
      %min3A_213 = arith.constant 1.000000e+00 : f32
      %min3A_214 = vector.broadcast %min3A_213 : f32 to vector<16xf32>
      %min3A_215 = arith.minimumf %div3A_212, %min3A_214 : vector<16xf32>
      %mul3A_216 = arith.mulf %mul3A_187, %min3A_215 : vector<16xf32>
      %add3A_217 = arith.constant 1.000000e+00 : f32
      %add3A_218 = vector.broadcast %add3A_217 : f32 to vector<16xf32>
      %add3A_219 = arith.addf %add3A_218, %mul3A_199 : vector<16xf32>
      %add3A_220 = arith.addf %add3A_219, %mul3A_205 : vector<16xf32>
      %div3A_221 = arith.constant 2.000000e+00 : f32
      %div3A_222 = vector.broadcast %div3A_221 : f32 to vector<16xf32>
      %div3A_223 = arith.divf %div3A_222, %add3A_220 : vector<16xf32>
      %min3A_224 = arith.constant 1.000000e+00 : f32
      %min3A_225 = vector.broadcast %min3A_224 : f32 to vector<16xf32>
      %min3A_226 = arith.minimumf %div3A_223, %min3A_225 : vector<16xf32>
      %mul3A_227 = arith.mulf %mul3A_199, %min3A_226 : vector<16xf32>
      %add3A_228 = arith.constant 1.000000e+00 : f32
      %add3A_229 = vector.broadcast %add3A_228 : f32 to vector<16xf32>
      %add3A_230 = arith.addf %add3A_229, %mul3A_216 : vector<16xf32>
      %add3A_231 = arith.addf %add3A_230, %mul3A_227 : vector<16xf32>
      %div3A_232 = arith.constant 2.000000e+00 : f32
      %div3A_233 = vector.broadcast %div3A_232 : f32 to vector<16xf32>
      %div3A_234 = arith.divf %div3A_233, %add3A_231 : vector<16xf32>
      %min3A_235 = arith.constant 1.000000e+00 : f32
      %min3A_236 = vector.broadcast %min3A_235 : f32 to vector<16xf32>
      %min3A_237 = arith.minimumf %div3A_234, %min3A_236 : vector<16xf32>
      %mul3A_238 = arith.mulf %mul3A_216, %min3A_237 : vector<16xf32>
      %swap3A_239 = arith.index_cast %mul3A_183 : i32 to index
      %swap3A_240 = tpu.vector_load %arg7[%swap3A_239] {strides = array<i32>} : memref<8192xf32, #tpu.memory_space<vmem>>, vector<16xf32>,
      %swap3A_241 = vector.shape_cast %swap3A_240 : vector<16xf32> to vector<16xf32>
      %swap3A_242 = vector.shape_cast %mul3A_238 : vector<16xf32> to vector<16xf32>
      tpu.vector_store %arg7[%swap3A_239], %swap3A_242 {strides = array<i32>} : memref<8192xf32, #tpu.memory_space<vmem>>, vector<16xf32>,
    }
    %scan3A_174 = arith.constant 512 : i32
    %eq3A_175 = arith.constant 0 : i32
    %eq3A_176 = arith.cmpi eq, %select_n3A_28, %eq3A_175 : i32
    %convert_element_type3A = arith.extui %eq3A_176 : i1 to i32
    %cond3A = arith.constant 0 : i32
    %cond3A_177 = arith.cmpi ne, %convert_element_type3A, %cond3A : i32
    scf.if %cond3A_177 {
      %iota3A = tpu.iota {dimensions = array<i32: 0>} : vector<16xi32>
      %eq3A_181 = arith.constant 0 : i32
      %eq3A_182 = vector.broadcast %eq3A_181 : i32 to vector<16xi32>
      %eq3A_183 = arith.cmpi eq, %iota3A, %eq3A_182 : vector<16xi32>
      %get3A_184 = arith.constant 0 : index
      %get3A_185 = tpu.vector_load %arg7[%get3A_184] {strides = array<i32>} : memref<8192xf32, #tpu.memory_space<vmem>>, vector<16xf32>,
      %get3A_186 = vector.shape_cast %get3A_185 : vector<16xf32> to vector<16xf32>
      %jit3A_187 = arith.constant 0.000000e+00 : f32
      %broadcast_in_dim3A_188 = vector.broadcast %jit3A_187 : f32 to vector<16xf32>
      %select_n3A_189 = arith.select %eq3A_183, %broadcast_in_dim3A_188, %get3A_186 : vector<16xi1>, vector<16xf32>
      %swap3A_190 = arith.constant 0 : index
      %swap3A_191 = tpu.vector_load %arg7[%swap3A_190] {strides = array<i32>} : memref<8192xf32, #tpu.memory_space<vmem>>, vector<16xf32>,
      %swap3A_192 = vector.shape_cast %swap3A_191 : vector<16xf32> to vector<16xf32>
      %swap3A_193 = vector.shape_cast %select_n3A_189 : vector<16xf32> to vector<16xf32>
      tpu.vector_store %arg7[%swap3A_190], %swap3A_193 {strides = array<i32>} : memref<8192xf32, #tpu.memory_space<vmem>>, vector<16xf32>,
    } else {
    }
    %mul3A_178 = arith.constant 32768 : i32
    %mul3A_179 = arith.muli %add3A_30, %mul3A_178 : i32
    %add3A_180 = arith.addi %mul3A_179, %mul3A_34 : i32
    "tpu.region"() ({
      %run_scoped3A = tpu.sem_alloc : memref<!tpu.dma_semaphore, #tpu.memory_space<semaphore_mem>>
      %dma_start3A = tpu.memref_slice %arg4[%add3A_180] : memref<262144xf32, #tpu.memory_space<hbm>> -> memref<8192xf32, #tpu.memory_space<hbm>>
      %dma_start3A_181 = tpu.memref_slice %arg4[%add3A_180] : memref<262144xf32, #tpu.memory_space<hbm>> -> memref<8192xf32, #tpu.memory_space<hbm>>
      tpu.enqueue_dma source(%arg7 : memref<8192xf32, #tpu.memory_space<vmem>>) target(%dma_start3A_181 : memref<8192xf32, #tpu.memory_space<hbm>>) target_semaphore(%run_scoped3A : memref<!tpu.dma_semaphore, #tpu.memory_space<semaphore_mem>>)
      %dma_wait3A = tpu.memref_slice %arg4[%add3A_180] : memref<262144xf32, #tpu.memory_space<hbm>> -> memref<8192xf32, #tpu.memory_space<hbm>>
      %dma_wait3A_182 = tpu.memref_slice %arg4[%add3A_180] : memref<262144xf32, #tpu.memory_space<hbm>> -> memref<8192xf32, #tpu.memory_space<hbm>>
      tpu.wait_dma2 semaphore(%run_scoped3A : memref<!tpu.dma_semaphore, #tpu.memory_space<semaphore_mem>>) src(%arg7 : memref<8192xf32, #tpu.memory_space<vmem>>) dst(%dma_wait3A_182 : memref<8192xf32, #tpu.memory_space<hbm>>)
      tpu.yield
    }) : () -> ()
    return
  }
}

module attributes {stable_mosaic.version = 14 : i64} {
  func.func @_tc_body(%arg0: i32, %arg1: memref<1xf32, #tpu.memory_space<smem>>, %arg2: memref<8x32768xf32, #tpu.memory_space<vmem>>, %arg3: memref<8x32768xf32, #tpu.memory_space<vmem>>) attributes {dimension_semantics = [#tpu.dimension_semantics<arbitrary>], iteration_bounds = array<i64: 7>, scalar_prefetch = 0 : i64, scratch_operands = 0 : i64, tpu.core_type = #tpu.core_type<tc>, window_params = [{transform_indices = @transform_0, window_bounds = array<i64: 1>}, {transform_indices = @transform_1, window_bounds = array<i64: 8, 32768>}, {transform_indices = @transform_2, window_bounds = array<i64: 8, 32768>}]} {
    %get3A = arith.constant 0 : index
    %get3A_0 = memref.load %arg1[%get3A] : memref<1xf32, #tpu.memory_space<smem>>
    %get3A_1 = arith.constant 0 : index
    %get3A_2 = arith.constant 0 : index
    %get3A_3 = vector.load %arg2[%get3A_1, %get3A_2] : memref<8x32768xf32, #tpu.memory_space<vmem>>, vector<8x32768xf32>
    %mul3A = vector.broadcast %get3A_0 : f32 to vector<8x32768xf32>
    %mul3A_4 = arith.mulf %get3A_3, %mul3A : vector<8x32768xf32>
    %logistic3A = arith.negf %mul3A_4 : vector<8x32768xf32>
    %logistic3A_5 = math.exp %logistic3A : vector<8x32768xf32>
    %logistic3A_6 = arith.constant 1.000000e+00 : f32
    %logistic3A_7 = vector.broadcast %logistic3A_6 : f32 to vector<8x32768xf32>
    %logistic3A_8 = arith.addf %logistic3A_7, %logistic3A_5 : vector<8x32768xf32>
    %logistic3A_9 = arith.divf %logistic3A_7, %logistic3A_8 : vector<8x32768xf32>
    %reduce_sum3A = arith.constant dense<0.000000e+00> : vector<8xf32>
    %reduce_sum3A_10 = vector.multi_reduction <add>, %logistic3A_9, %reduce_sum3A [1] : vector<8x32768xf32> to vector<8xf32>
    %broadcast_in_dim3A = vector.shape_cast %reduce_sum3A_10 : vector<8xf32> to vector<8x1xf32>
    %jit3A = arith.constant 9.99999997E-7 : f32
    %max3A = vector.broadcast %jit3A : f32 to vector<8x1xf32>
    %max3A_11 = arith.maximumf %max3A, %broadcast_in_dim3A : vector<8x1xf32>
    %div3A = arith.constant 2.560000e+02 : f32
    %div3A_12 = vector.broadcast %div3A : f32 to vector<8x1xf32>
    %div3A_13 = arith.divf %div3A_12, %max3A_11 : vector<8x1xf32>
    %min3A = arith.constant 1.000000e+00 : f32
    %min3A_14 = vector.broadcast %min3A : f32 to vector<8x1xf32>
    %min3A_15 = arith.minimumf %div3A_13, %min3A_14 : vector<8x1xf32>
    %mul3A_16 = vector.broadcast %min3A_15 : vector<8x1xf32> to vector<8x32768xf32>
    %mul3A_17 = arith.mulf %logistic3A_9, %mul3A_16 : vector<8x32768xf32>
    %roll3A = arith.constant 32767 : i32
    %roll3A_18 = tpu.dynamic_rotate %mul3A_17 by %roll3A dim 1 : vector<8x32768xf32>, i32 -> vector<8x32768xf32>
    %add3A = arith.constant 1.000000e+00 : f32
    %add3A_19 = vector.broadcast %add3A : f32 to vector<8x32768xf32>
    %add3A_20 = arith.addf %add3A_19, %mul3A_17 : vector<8x32768xf32>
    %add3A_21 = arith.addf %add3A_20, %roll3A_18 : vector<8x32768xf32>
    %div3A_22 = arith.constant 2.000000e+00 : f32
    %div3A_23 = vector.broadcast %div3A_22 : f32 to vector<8x32768xf32>
    %div3A_24 = arith.divf %div3A_23, %add3A_21 : vector<8x32768xf32>
    %min3A_25 = arith.constant 1.000000e+00 : f32
    %min3A_26 = vector.broadcast %min3A_25 : f32 to vector<8x32768xf32>
    %min3A_27 = arith.minimumf %div3A_24, %min3A_26 : vector<8x32768xf32>
    %mul3A_28 = arith.mulf %mul3A_17, %min3A_27 : vector<8x32768xf32>
    %roll3A_29 = arith.constant 32766 : i32
    %roll3A_30 = tpu.dynamic_rotate %mul3A_28 by %roll3A_29 dim 1 : vector<8x32768xf32>, i32 -> vector<8x32768xf32>
    %add3A_31 = arith.constant 1.000000e+00 : f32
    %add3A_32 = vector.broadcast %add3A_31 : f32 to vector<8x32768xf32>
    %add3A_33 = arith.addf %add3A_32, %mul3A_28 : vector<8x32768xf32>
    %add3A_34 = arith.addf %add3A_33, %roll3A_30 : vector<8x32768xf32>
    %div3A_35 = arith.constant 2.000000e+00 : f32
    %div3A_36 = vector.broadcast %div3A_35 : f32 to vector<8x32768xf32>
    %div3A_37 = arith.divf %div3A_36, %add3A_34 : vector<8x32768xf32>
    %min3A_38 = arith.constant 1.000000e+00 : f32
    %min3A_39 = vector.broadcast %min3A_38 : f32 to vector<8x32768xf32>
    %min3A_40 = arith.minimumf %div3A_37, %min3A_39 : vector<8x32768xf32>
    %mul3A_41 = arith.mulf %mul3A_28, %min3A_40 : vector<8x32768xf32>
    %iota3A = tpu.iota {dimensions = array<i32: 1>} : vector<8x32768xi32>
    %eq3A = arith.constant 0 : i32
    %eq3A_42 = vector.broadcast %eq3A : i32 to vector<8x32768xi32>
    %eq3A_43 = arith.cmpi eq, %iota3A, %eq3A_42 : vector<8x32768xi32>
    %jit3A_44 = arith.constant 0.000000e+00 : f32
    %broadcast_in_dim3A_45 = vector.broadcast %jit3A_44 : f32 to vector<8x32768xf32>
    %select_n3A = arith.select %eq3A_43, %broadcast_in_dim3A_45, %mul3A_41 : vector<8x32768xi1>, vector<8x32768xf32>
    %swap3A = arith.constant 0 : index
    %swap3A_46 = arith.constant 0 : index
    %swap3A_47 = vector.load %arg3[%swap3A, %swap3A_46] : memref<8x32768xf32, #tpu.memory_space<vmem>>, vector<8x32768xf32>
    tpu.vector_store %arg3[%swap3A, %swap3A_46], %select_n3A {strides = array<i32>} : memref<8x32768xf32, #tpu.memory_space<vmem>>, vector<8x32768xf32>,
    return
  }
  func.func @transform_0(%arg0: i32) -> i32 {
    %c0_i32 = arith.constant 0 : i32
    %c0_i32_0 = arith.constant 0 : i32
    return %c0_i32 : i32
  }
  func.func @transform_1(%arg0: i32) -> (i32, i32) {
    %c0_i32 = arith.constant 0 : i32
    %c0_i32_0 = arith.constant 0 : i32
    return %arg0, %c0_i32 : i32, i32
  }
  func.func @transform_2(%arg0: i32) -> (i32, i32) {
    %c0_i32 = arith.constant 0 : i32
    %c0_i32_0 = arith.constant 0 : i32
    return %arg0, %c0_i32 : i32, i32
  }
}

</mosaic_0001>

<sc_bundles>
// kernel: kernel.4.cloned.1.call-start
scs
__scs_entry_jumppad:
0x0: {  	(pc) =	sbr.rel $0x88, $3  }
0x1: {  	(tag) =	ssettag $0x0;
	lr =	simm.s32 $0x1  }
0x2: {  	[smem:$0x3F9F] =	sst lr;
	_ =	strace $0xD0000000  }
0x3: {  	_ = 	snop  }
0x4: {  	_ = 	snop  }
0x5: {  	_ = 	snop  }
0x6: {  	_ = 	snop  }
0x7: {  	_ = 	snop  }
__scs_overlays_trampoline_lowered:
0x8: {  	[smem:$0x3FAE] =	sst s0  }
0x9: {  	[smem:$0x3FAF] =	sst s1  }
0xa: {  	[smem:$0x3FB0] =	sst s2  }
0xb: {  	[smem:$0x3FB1] =	sst s3  }
0xc: {  	[smem:$0x3FB2] =	sst s4  }
0xd: {  	[smem:$0x3FB3] =	sst s5  }
0xe: {  	[smem:$0x3FB4] =	sst s6  }
0xf: {  	[smem:$0x3FB5] =	sst s7  }
0x10: {  	[smem:$0x3FB6] =	sst s8  }
0x11: {  	[smem:$0x3FB7] =	sst s9;
	s0 =	simm.s32 @!p0 $0x0  }
0x12: {  	s1 =	sld [smem:$0x3F9D];
	s0 =	simm.s32 @p0 $0x1  }
0x13: {  	[smem:$0x3FB8] =	sst s0;
	s0 =	simm.s32 @!p1 $0x0  }
0x14: {  	s2 =	sld [smem:$0x3F9C];
	s0 =	simm.s32 @p1 $0x1  }
0x15: {  	[smem:$0x3FB9] =	sst s0;
	s0 =	simm.s32 @!p2 $0x0  }
0x16: {  	s3 =	sld [smem:$0x3FDB];
	s0 =	simm.s32 @p2 $0x1  }
0x17: {  	s4 =	simm.s32 $0x1BF5;
	[smem:$0x3FBB] =	sst s0  }
0x18: {  	s0 =	sld [smem:$0x3F9E];
	_ =	swait.ge [sflag:s4], $0x0  }
0x19: {  	s7 =	sld [smem:$0x3F9F]  }
0x1a: {  	s8 =	sadd.s32 $0xFFFFE003, lr  }
0x1b: {  	s9 =	sadd.s32 $0xFFFFFEF7, lr;
	s5 =	simm.s32 $0xFFFFFFFF;
	p2 =	slt.u32 s8, $0xFFFFF086  }
0x1c: {  	p1 =	slt.u32 s9, $0xF7A;
	s5 =	simm.s32 @!p2 $0x0  }
0x1d: {  	s5 =	simm.s32 @p1 $0x1;
	p0 =	seq.s32 s7, s2  }
0x1e: {  	s7 =	smul.u32 @!p0 $0xF7A, s2;
	p2 =	seq.s32 @!p0 s5, $0x0  }
0x1f: {  	s9 =	smul.u32 $0xF7A, s1;
	s8 =	simm.s32 @!p0 $0x1BF5;
	p2 =	por !p2, p0  }
0x20: {  	[sflag:s8] =	ssyncset.s32 @!p0 $0xFFFFF086;
	s6 =	sadd.s32 @!p0 s3, s7;
	s7 =	simm.s32 @!p0 $0x108  }
0x21: {  	s3 =	sadd.s32 s3, s9;
	s6 =	sadd.s32 @!p0 $0x88, s6;
	s7 =	simm.s32 @p2 $0x1082  }
0x22: {  	[simem:s7], [sflag:s8] =	dma.local @!p0 [hbm:s6], $0xF7A  }
0x23: {  	s9 =	sor.u32 $0xD0000000, s2;
	s6 =	simm.s32 $0x108;
	_ =	swait.ge @!p0 [sflag:s8], $0x0  }
0x24: {  	s3 =	sadd.s32 $0x88, s3;
	s6 =	simm.s32 @!p1 $0x1082;
	[sflag:s4] =	ssyncset.s32 $0xFFFFF086  }
0x25: {  	[simem:s6], [sflag:s4] =	dma.local [hbm:s3], $0xF7A  }
0x26: {  	[smem:$0x3F9F] =	sst s1;
	(tag) =	ssettag s2;
	_ =	strace s9  }
0x27: {  	s1 =	sld [smem:$0x3FAF]  }
0x28: {  	s2 =	sld [smem:$0x3FB0]  }
0x29: {  	s4 =	sld [smem:$0x3FB2]  }
0x2a: {  	p0 =	seq.s32 s5, $0x0;
	s5 =	sld [smem:$0x3FB3]  }
0x2b: {  	s6 =	sld [smem:$0x3FB4]  }
0x2c: {  	s7 =	sld [smem:$0x3FB5]  }
0x2d: {  	s3 =	simm.s32 $0x108;
	s8 =	sld [smem:$0x3FB6]  }
0x2e: {  	s3 =	simm.s32 @!p0 $0x1082;
	s9 =	sld [smem:$0x3FB7]  }
0x2f: {  	lr =	sadd.s32 s0, s3;
	s0 =	sld [smem:$0x3FAE]  }
0x30: {  	s3 =	sld [smem:$0x3FB1]  }
0x31: {  	[smem:$0x3FBA] =	sst s10  }
0x32: {  	s10 =	sld [smem:$0x3FB8];
	_ =	sdelay $0x3  }
0x33: {  	p0 =	seq.s32 s10, $0x1;
	s10 =	sld [smem:$0x3FBA];
	_ =	sdelay $0x3  }
0x34: {  	[smem:$0x3FBA] =	sst s10  }
0x35: {  	s10 =	sld [smem:$0x3FB9];
	_ =	sdelay $0x3  }
0x36: {  	p1 =	seq.s32 s10, $0x1;
	s10 =	sld [smem:$0x3FBA];
	_ =	sdelay $0x3  }
0x37: {  	[smem:$0x3FBA] =	sst s10  }
0x38: {  	s10 =	sld [smem:$0x3FBB]  }
0x39: {  	_ = 	snop;
	(pc) =	sbr.ind lr, $3  }
0x3a: {  	_ = 	snop  }
0x3b: {  	_ = 	snop  }
0x3c: {  	p2 =	seq.s32 s10, $0x1;
	s10 =	sld [smem:$0x3FBA]  }
0x3d: {  	_ =	shalt  }
0x3e: {  	_ =	shalt  }
0x3f: {  	_ =	shalt  }
0x40: {  	_ =	shalt  }
0x41: {  	_ =	shalt  }
0x42: {  	_ =	shalt  }
0x43: {  	_ =	shalt  }
0x44: {  	_ =	shalt  }
0x45: {  	_ =	shalt  }
0x46: {  	_ =	shalt  }
0x47: {  	_ =	shalt  }
0x48: {  	_ =	shalt  }
0x49: {  	_ =	shalt  }
0x4a: {  	_ =	shalt  }
0x4b: {  	_ =	shalt  }
0x4c: {  	_ =	shalt  }
0x4d: {  	_ =	shalt  }
0x4e: {  	_ =	shalt  }
0x4f: {  	_ =	shalt  }
0x50: {  	_ =	shalt  }
0x51: {  	_ =	shalt  }
0x52: {  	_ =	shalt  }
0x53: {  	_ =	shalt  }
0x54: {  	_ =	shalt  }
0x55: {  	_ =	shalt  }
0x56: {  	_ =	shalt  }
0x57: {  	_ =	shalt  }
0x58: {  	_ =	shalt  }
0x59: {  	_ =	shalt  }
0x5a: {  	_ =	shalt  }
0x5b: {  	_ =	shalt  }
0x5c: {  	_ =	shalt  }
0x5d: {  	_ =	shalt  }
0x5e: {  	_ =	shalt  }
0x5f: {  	_ =	shalt  }
0x60: {  	_ =	shalt  }
0x61: {  	_ =	shalt  }
0x62: {  	_ =	shalt  }
0x63: {  	_ =	shalt  }
0x64: {  	_ =	shalt  }
0x65: {  	_ =	shalt  }
0x66: {  	_ =	shalt  }
0x67: {  	_ =	shalt  }
0x68: {  	_ =	shalt  }
0x69: {  	_ =	shalt  }
0x6a: {  	_ =	shalt  }
0x6b: {  	_ =	shalt  }
0x6c: {  	_ =	shalt  }
0x6d: {  	_ =	shalt  }
0x6e: {  	_ =	shalt  }
0x6f: {  	_ =	shalt  }
0x70: {  	_ =	shalt  }
0x71: {  	_ =	shalt  }
0x72: {  	_ =	shalt  }
0x73: {  	_ =	shalt  }
0x74: {  	_ =	shalt  }
0x75: {  	_ =	shalt  }
0x76: {  	_ =	shalt  }
0x77: {  	_ =	shalt  }
0x78: {  	_ =	shalt  }
0x79: {  	_ =	shalt  }
0x7a: {  	_ =	shalt  }
0x7b: {  	_ =	shalt  }
0x7c: {  	_ =	shalt  }
0x7d: {  	_ =	shalt  }
0x7e: {  	_ =	shalt  }
0x7f: {  	_ =	shalt  }
0x80: {  	_ =	shalt  }
0x81: {  	_ =	shalt  }
0x82: {  	_ =	shalt  }
0x83: {  	_ =	shalt  }
0x84: {  	_ =	shalt  }
0x85: {  	_ =	shalt  }
0x86: {  	_ =	shalt  }
0x87: {  	_ =	shalt  }
.Lfunc_end0:
.L_simem_size_0:
called_computation_lowered:
.L_overlay_start_0:
0x88: {  	s2 =	sld [smem:$0x3FD9]  }
0x89: {  	s3 =	sld [smem:$0x3FFE];
	_ =	sdelay $0x1  }
0x8a: {  	s1 =	srdreg.scid  }
0x8b: {  	s0 =	sand.u32 $0x1, s1  }
0x8c: {  	s16 =	sshll.u32 s0, $0xA;
	s2 =	sadd.s32 s3, s2  }
0x8d: {  	s2 =	sadd.s32 s2, s16  }
0x8e: {  	[smem:$0x3FC6] =	sst s2  }
0x8f: {  	_ = 	snop  }
0x90: {  	(tm) =	ssettm $0x1  }
0x91: {  	s17 =	sld [smem:$0x3FFB];
	_ =	sdelay $0x3  }
0x92: {  	_ =	strace s17  }
0x93: {  	s2 =	sld [smem:$0x3FFC];
	_ =	sdelay $0x3  }
0x94: {  	_ =	strace s2  }
0x95: {  	s2 =	sld [smem:$0x3FFD];
	_ =	sdelay $0x3  }
0x96: {  	_ =	strace s2  }
0x97: {  	_ =	strace $0x8FFFFFFF  }
0x98: {  	s18 =	sld [smem:$0x3FDB];
	_ =	sdelay $0x1  }
0x99: {  	s19 =	simm.s32 $_scs_section_size  }
0x9a: {  	s4 =	simm.s32 $_size__tile_overlayer_lowered;
	s5 =	simm.s32 $_tile_overlayer_lowered  }
0x9b: {  	s22 =	simm.s32 $0x1BFF;
	s21 =	sshll.u32 s5, $0x1;
	s2 =	sadd.s32 s19, s18  }
0x9c: {  	s6 =	simm.s32 $0x0;
	s20 =	sshll.u32 s4, $0x1;
	s4 =	sadd.s32 s21, s2  }
0x9d: {  	[timem:s6], [sflag:s22] =	dma.local [hbm:s4], s20  }
0x9e: {  	_ =	swait.ge [sflag:s22], s20  }
0x9f: {  	s3 =	ssub.s32 $0x0, s20;
	[sflag:s22] =	ssyncset.done $0x0  }
0xa0: {  	[sflag:s22] =	ssyncadd.s32 s3;
	_ =	sdelay $0x1  }
0xa1: {  	s23 =	simm.s32 $0x1B8B  }
0xa2: {  	_ =	swait.ge [sflag:s23], $0x1  }
0xa3: {  	[sflag:s23] =	ssyncset.done $0x0  }
0xa4: {  	s25 =	simm.s32 $0x1B8E;
	s24 =	sld [smem:$0x3FFE];
	[sflag:s23] =	ssyncadd.s32 $0xFFFFFFFF  }
0xa5: {  	s26 =	simm.s32 $execute0_lowered;
	[smem:$0x3FD2] =	sst s25  }
0xa6: {  	s4 =	sshll.u32 s26, $0x1;
	_ =	strace $0x80000046;
	[dreg:$0x1] =	wrdreg $0xFFFFFFFF  }
0xa7: {  	s28 =	simm.s32 $_size_execute0_lowered;
	s2 =	sadd.s32 s2, s4;
	[dreg:$0x0] =	wrdreg $0x0  }
0xa8: {  	s4 =	sshll.u32 s28, $0x1;
	[dreg:$0x2] =	wrdreg s2  }
0xa9: {  	[dreg:$0x3] =	wrdreg s4  }
0xaa: {  	[dreg:$0x4] =	wrdreg $0xC0  }
0xab: {  	_ =	task [dreg:s6], $0x5FFFF  }
0xac: {  	[dreg:$0x1] =	wrdreg $0xFFFFFFFF  }
0xad: {  	[dreg:$0x0] =	wrdreg $0x60  }
0xae: {  	[dreg:$0x2] =	wrdreg s24  }
0xaf: {  	[dreg:$0x3] =	wrdreg $0x62000  }
0xb0: {  	[dreg:$0x4] =	wrdreg $0x9  }
0xb1: {  	_ =	task.clear_ibuf [dreg:s6], $0x5FFFF;
	_ =	strace $0x90000046  }
0xb2: {  	s29 =	simm.s32 $0x9;
	_ =	strace $0x80000048  }
0xb3: {  	_ =	swait.ge [sflag:s29], $0x1  }
0xb4: {  	[sflag:s29] =	ssyncadd.s32 $0xFFFFFFFF  }
0xb5: {  	_ =	strace $0x90000048  }
0xb6: {  	_ =	sfence  }
0xb7: {  	s30 =	sld [smem:$0x0];
	_ =	sdelay $0x2  }
0xb8: {  	s31 =	sshll.u32 s1, $0xD;
	s1 =	sshrl.u32 s1, $0x2  }
0xb9: {  	s3 =	sand.u32 $0x4000, s31;
	s1 =	sadd.s32 s1, s30  }
0xba: {  	s0 =	sor.u32 s3, s0;
	s1 =	sshll.u32 s1, $0x11  }
0xbb: {  	s0 =	sor.u32 s1, s0  }
0xbc: {  	s0 =	sadd.s32 $0x8F2B, s0  }
0xbd: {  	[sflag:s0] =	ssyncadd.remote.s32 $0x1  }
0xbe: {  	_ =	sfence.sel $0xFFFF  }
0xbf: {  	[dreg:$0x0] =	wrdreg $0xFFFFFFFF;
	(pc) =	sbr.abs _section_cstart, $3  }
0xc0: {  	[dreg:$0x1] =	wrdreg $0xFFFFFFFF  }
0xc1: {  	_ =	task.clear_ibuf [dreg:s6], $0x2FFFF;
	_ =	strace $0x9FFFFFFF  }
0xc2: {  	(tm) =	ssettm $0x7FFFFFFF  }
0xc3: {  	_ =	shalt  }
tec
execute0_lowered:
.L_overlay_start_1:
0x0: {  	(tag) =	ssettag $0x1  }
0x1: {  	s4 =	rddreg [dreg:$0x0]  }
0x2: {  	s5 =	rddreg [dreg:$0x1]  }
0x3: {  	s0 =	rddreg [dreg:$0x2]  }
0x4: {  	s3 =	srdreg.scid;
	s1 =	stileid.u32  }
0x5: {  	s2 =	simm.s32 $0x0;
	s14 =	simm.s32 $0x1;
	s15 =	simm.s32 $0x2000  }
0x6: {  	s16 =	simm.s32 $0x6180;
	s18 =	simm.s32 $0x0;
	s6 =	sand.u32 $0x1, s3  }
0x7: {  	s7 =	sshrl.u32 s1, $0x2;
	s17 =	sand.u32 $0x3, s1;
	[smem:$0x7FF] =	sst s2  }
0x8: {  	s10 =	sadd.s32 $0xC00, s4;
	s31 =	sshll.u32 s1, $0x7;
	s3 =	sshll.u32 s6, $0x11  }
0x9: {  	s8 =	sshll.u32 s7, $0xF;
	s9 =	sshll.u32 s17, $0xD;
	_ =	strace $0x80000047  }
0xa: {  	s28 =	ssub.s32 $0x2, s6;
	s7 =	sshll.u32 s7, $0x9;
	p0 =	sne.s32 s17, $0x0  }
0xb: {  	s17 =	simm.s32 $0x4100;
	s8 =	sor.u32 s3, s8;
	s3 =	sadd.s32 $0x40E00, s4  }
0xc: {  	s12 =	sshrl.u32 s28, $0x1;
	s13 =	sadd.s32 s7, s5;
	s11 =	sor.u32 s9, s8  }
0xd: {  	s8 =	sor.u32 $0x1C0000, s8;
	s12 =	ssub.s32 s28, s12;
	s7 =	sadd.s32 $0x400, s13  }
0xe: {  	s11 =	sshrl.u32 s11, $0x3;
	s29 =	sor.u32 s9, s8;
	s9 =	sadd.s32 $0x2000, s9  }
0xf: {  	s12 =	smax.u32 s12, $0x1;
	s6 =	sshrl.u32 s29, $0x3;
	s30 =	sand.u32 $0x6000, s9  }
0x10: {  	s11 =	sadd.s32 s11, s4;
	s4 =	sadd.s32 s10, s6;
	s6 =	sor.u32 s30, s8  }
0x11: {  	s9 =	sadd.s32 $0x500, s13;
	s8 =	sadd.s32 s31, s5;
	s6 =	sshrl.u32 s6, $0x3  }
0x12: {  	s11 =	sadd.s32 $0x41000, s11;
	s5 =	sadd.s32 s10, s6;
	s6 =	sadd.s32 $0x400, s8  }
0x13: {  	s8 =	sadd.s32 $0x480, s13;
	s10 =	sadd.s32 $0x580, s13;
	s13 =	simm.s32 $0x6100  }
.LBB2_1:
0x14: {  	[tilespmem:s13], [sflag:$0x1] =	stream.linear.gather [hbm4b:s3+s2], $0x80, $0x38;
	[tilespmem:$0x6218] =	vst v63  }
0x15: {  	_ =	swait.ge [sflag:s14], $0x80  }
0x16: {  	[sflag:s14] =	ssyncset.done $0x0  }
0x17: {  	[sflag:s14] =	ssyncadd.s32 $0xFFFFFF80  }
0x18: {  	v0 =	vld [tilespmem:$0x6100];
	[tilespmem:s2], [sflag:$0x1] =	stream.linear.gather [hbm4b:s4+s2], $0x2000, $0x38  }
0x19: {  	_ =	swait.ge [sflag:s14], $0x2000  }
0x1a: {  	[sflag:s14] =	ssyncset.done $0x0  }
0x1b: {  	[sflag:s14] =	ssyncadd.s32 $0xFFFFE000  }
0x1c: {  	[tilespmem:s15], [sflag:$0x1] =	stream.linear.gather [hbm4b:s5+s2], $0x10, $0x38;
	[tilespmem:$0x6218] =	vst v63  }
0x1d: {  	_ =	swait.ge [sflag:s14], $0x10  }
0x1e: {  	[sflag:s14] =	ssyncset.done $0x0  }
0x1f: {  	s19 =	simm.s32 $0x0;
	[sflag:s14] =	ssyncadd.s32 $0xFFFFFFF0  }
0x20: {  	v1 =	vld [tilespmem:s19+$0x0];
	_ =	sdelay $0x1  }
0x21: {  	s20 =	simm.s32 $0x10  }
0x22: {  	v2 =	vld [tilespmem:s20+$0x0];
	_ =	sdelay $0x1  }
0x23: {  	v1 =	vmul.f32 v1, v0;
	_ =	sdelay $0x1  }
0x24: {  	v1 =	vsub.f32 $0.0e+00, v1  }
0x25: {  	v2 =	vmul.f32 v2, v0  }
0x26: {  	v1 =	vmul.f32 $1.442695020e+00, v1  }
0x27: {  	s21 =	simm.s32 $0x20;
	v2 =	vsub.f32 $0.0e+00, v2  }
0x28: {  	(erf) = vpow2.f32 v1;
	v1 =	vld [tilespmem:s21+$0x0]  }
0x29: {  	v2 =	vmul.f32 $1.442695020e+00, v2;
	_ =	sdelay $0x1  }
0x2a: {  	(erf) = vpow2.f32 v2  }
0x2b: {  	s22 =	simm.s32 $0x30  }
0x2c: {  	v2 =	vld [tilespmem:s22+$0x0];
	v1 =	vmul.f32 v1, v0;
	_ =	sdelay $0x1  }
0x2d: {  	v1 =	vsub.f32 $0.0e+00, v1;
	_ =	sdelay $0x1  }
0x2e: {  	v3 =	vpop (erf);
	v4 =	vmul.f32 $1.442695020e+00, v1  }
0x2f: {  	v2 =	vmul.f32 v2, v0;
	v3 =	vadd.f32 $1.000000000e+00, v3  }
0x30: {  	s23 =	simm.s32 $0x40;
	(erf) = vpow2.f32 v4  }
0x31: {  	v5 =	vsub.f32 $0.0e+00, v2;
	v2 =	vld [tilespmem:s23+$0x0];
	v6 =	vpop (erf);
	(erf) = vrcp.f32 v3;
	_ =	sdelay $0x2  }
0x32: {  	s24 =	simm.s32 $0x140;
	v1 =	vimm.f32 $0.0e+00;
	v4 =	vmul.f32 $1.442695020e+00, v5;
	v3 =	vadd.f32 $1.000000000e+00, v6  }
.LBB2_2:
0x33: {  	s25 =	smov.u32 s22  }
0x34: {  	v6 =	vmul.f32 v2, v0;
	(erf) = vpow2.f32 v4;
	s22 =	smov.u32 s23;
	s23 =	sshra.s32 s24, $0x2;
	p1 =	sne.s32 s24, $0x7FC0  }
.Ltmp0:
0x35: {  	s24 =	sadd.s32 $0x40, s24;
	v2 =	vld [tilespmem:s23+$0x0];
	(erf) = vrcp.f32 v3;
	(pc) =	sbr.rel @p1 .LBB2_2-.Ltmp0, $4  }
0x36: {  	v3 =	vsub.f32 $0.0e+00, v6  }
0x37: {  	v5 =	vpop (erf)  }
0x38: {  	v4 =	vmul.f32 $1.442695020e+00, v3;
	v6 =	vpop (erf)  }
0x39: {  	v3 =	vadd.f32 $1.000000000e+00, v5;
	[tilespmem:s19+$0x2080] =	vst v6;
	v1 =	vadd.f32 v6, v1;
	s19 =	smov.u32 s20;
	s20 =	smov.u32 s21;
	s21 =	smov.u32 s25  }
0x3a: {  	v2 =	vmul.f32 v2, v0;
	_ =	sdelay $0x1  }
0x3b: {  	v2 =	vsub.f32 $0.0e+00, v2;
	_ =	sdelay $0x1  }
0x3c: {  	(erf) = vpow2.f32 v4;
	v2 =	vmul.f32 $1.442695020e+00, v2  }
0x3d: {  	(erf) = vrcp.f32 v3  }
0x3e: {  	(erf) = vpow2.f32 v2;
	_ =	sdelay $0x4  }
0x3f: {  	v2 =	vpop (erf)  }
0x40: {  	v3 =	vpop (erf)  }
0x41: {  	v4 =	vpop (erf)  }
0x42: {  	v2 =	vadd.f32 $1.000000000e+00, v2;
	v5 =	vpop (erf)  }
0x43: {  	v4 =	vadd.f32 $1.000000000e+00, v4;
	v6 =	vpop (erf)  }
0x44: {  	(erf) = vrcp.f32 v2;
	v2 =	vadd.f32 $1.000000000e+00, v6  }
0x45: {  	(erf) = vrcp.f32 v4  }
0x46: {  	(erf) = vrcp.f32 v2;
	_ =	sdelay $0x5  }
0x47: {  	[tilespmem:s19+$0x2080] =	vst v3  }
0x48: {  	[tilespmem:s20+$0x2080] =	vst v5;
	v2 =	vpop (erf)  }
0x49: {  	[tilespmem:s21+$0x2080] =	vst v2;
	v4 =	vpop (erf)  }
0x4a: {  	[tilespmem:s22+$0x2080] =	vst v4;
	v6 =	vpop (erf)  }
0x4b: {  	[tilespmem:s23+$0x2080] =	vst v6  }
0x4c: {  	v7 =	vld [tilespmem:$0x2000];
	_ =	sdelay $0x4  }
0x4d: {  	v0 =	vmul.f32 v7, v0;
	_ =	sdelay $0x1  }
0x4e: {  	v0 =	vsub.f32 $0.0e+00, v0;
	_ =	sdelay $0x1  }
0x4f: {  	v0 =	vmul.f32 $1.442695020e+00, v0;
	_ =	sdelay $0x1  }
0x50: {  	(erf) = vpow2.f32 v0;
	_ =	sdelay $0x8  }
0x51: {  	v0 =	vpop (erf)  }
0x52: {  	v0 =	vadd.f32 $1.000000000e+00, v0;
	_ =	sdelay $0x1  }
0x53: {  	(erf) = vrcp.f32 v0  }
0x54: {  	v0 =	vadd.f32 v3, v1;
	_ =	sdelay $0x1  }
0x55: {  	v0 =	vadd.f32 v5, v0;
	_ =	sdelay $0x1  }
0x56: {  	v0 =	vadd.f32 v2, v0;
	_ =	sdelay $0x1  }
0x57: {  	v0 =	vadd.f32 v4, v0;
	_ =	sdelay $0x1  }
0x58: {  	v0 =	vadd.f32 v6, v0;
	v1 =	vpop (erf)  }
0x59: {  	[tilespmem:$0x4080] =	vst v1  }
0x5a: {  	[tilespmem:$0x6180] =	vst v0  }
0x5b: {  	[spmem:s6] =	stream.linear.scatter [tilespmem:s16], [sflag:$0x1], $0x80, $0x38;
	[tilespmem:$0x6218] =	vst v63  }
0x5c: {  	_ =	swait.ge [sflag:s14], $0x80  }
0x5d: {  	[sflag:s14] =	ssyncset.done $0x0  }
0x5e: {  	[sflag:s14] =	ssyncadd.s32 $0xFFFFFF80  }
0x5f: {  	[bflag:$0x0] =	sbarrier.arrive $0xFFFF  }
0x60: {  	[tilespmem:s16], [sflag:$0x1] =	stream.linear.gather [spmem:s7], $0x80, $0x38;
	[tilespmem:$0x6218] =	vst v63  }
0x61: {  	_ =	swait.ge [sflag:s14], $0x80  }
0x62: {  	[sflag:s14] =	ssyncset.done $0x0  }
0x63: {  	[sflag:s14] =	ssyncadd.s32 $0xFFFFFF80  }
0x64: {  	v0 =	vld [tilespmem:$0x6180];
	[tilespmem:s16], [sflag:$0x1] =	stream.linear.gather [spmem:s8], $0x80, $0x38  }
0x65: {  	_ =	swait.ge [sflag:s14], $0x80  }
0x66: {  	[sflag:s14] =	ssyncset.done $0x0  }
0x67: {  	[sflag:s14] =	ssyncadd.s32 $0xFFFFFF80  }
0x68: {  	v1 =	vld [tilespmem:$0x6180];
	[tilespmem:s16], [sflag:$0x1] =	stream.linear.gather [spmem:s9], $0x80, $0x38  }
0x69: {  	_ =	swait.ge [sflag:s14], $0x80  }
0x6a: {  	[sflag:s14] =	ssyncset.done $0x0  }
0x6b: {  	[sflag:s14] =	ssyncadd.s32 $0xFFFFFF80  }
0x6c: {  	v2 =	vld [tilespmem:$0x6180];
	[tilespmem:s16], [sflag:$0x1] =	stream.linear.gather [spmem:s10], $0x80, $0x38  }
0x6d: {  	_ =	swait.ge [sflag:s14], $0x80  }
0x6e: {  	[sflag:s14] =	ssyncset.done $0x0  }
0x6f: {  	v0 =	vadd.f32 $0.0e+00, v0;
	[sflag:s14] =	ssyncadd.s32 $0xFFFFFF80  }
0x70: {  	v3 =	vld [tilespmem:$0x6180]  }
0x71: {  	v0 =	vadd.f32 v1, v0;
	_ =	sdelay $0x1  }
0x72: {  	v0 =	vadd.f32 v2, v0;
	_ =	sdelay $0x1  }
0x73: {  	v0 =	vadd.f32 v3, v0;
	_ =	sdelay $0x1  }
0x74: {  	(v2sf) =	vpush v0, $0x0  }
0x75: {  	(v2sf) =	vpush v0, $0x1;
	_ =	sdelay $0x1  }
0x76: {  	(v2sf) =	vpush v0, $0x2;
	_ =	sdelay $0x1  }
0x77: {  	(v2sf) =	vpush v0, $0x3;
	_ =	sdelay $0x1  }
0x78: {  	(v2sf) =	vpush v0, $0x4;
	_ =	sdelay $0x1  }
0x79: {  	(v2sf) =	vpush v0, $0x5;
	_ =	sdelay $0x1  }
0x7a: {  	(v2sf) =	vpush v0, $0x6;
	_ =	sdelay $0x1  }
0x7b: {  	(v2sf) =	vpush v0, $0x7;
	_ =	sdelay $0x1  }
0x7c: {  	s25 =	spop (v2sf);
	(v2sf) =	vpush v0, $0x8  }
0x7d: {  	s26 =	spop (v2sf)  }
0x7e: {  	(v2sf) =	vpush v0, $0x9;
	s19 =	sadd.f32 s26, s25  }
0x7f: {  	s28 =	spop (v2sf)  }
0x80: {  	(v2sf) =	vpush v0, $0xA;
	s19 =	sadd.f32 s19, s28  }
0x81: {  	s29 =	spop (v2sf)  }
0x82: {  	(v2sf) =	vpush v0, $0xB;
	s19 =	sadd.f32 s19, s29  }
0x83: {  	s30 =	spop (v2sf)  }
0x84: {  	(v2sf) =	vpush v0, $0xC;
	s19 =	sadd.f32 s19, s30  }
0x85: {  	s31 =	spop (v2sf)  }
0x86: {  	(v2sf) =	vpush v0, $0xD;
	s19 =	sadd.f32 s19, s31  }
0x87: {  	s21 =	spop (v2sf)  }
0x88: {  	(v2sf) =	vpush v0, $0xE;
	s19 =	sadd.f32 s19, s21  }
0x89: {  	s22 =	spop (v2sf)  }
0x8a: {  	(v2sf) =	vpush v0, $0xF;
	s19 =	sadd.f32 s19, s22  }
0x8b: {  	s23 =	spop (v2sf)  }
0x8c: {  	s19 =	sadd.f32 s19, s23  }
0x8d: {  	s24 =	spop (v2sf)  }
0x8e: {  	s19 =	sadd.f32 s19, s24  }
0x8f: {  	s25 =	spop (v2sf)  }
0x90: {  	s19 =	sadd.f32 s19, s25  }
0x91: {  	s26 =	spop (v2sf)  }
0x92: {  	s19 =	sadd.f32 s19, s26  }
0x93: {  	s28 =	spop (v2sf)  }
0x94: {  	s19 =	sadd.f32 s19, s28  }
0x95: {  	s29 =	spop (v2sf)  }
0x96: {  	s19 =	sadd.f32 s19, s29  }
0x97: {  	s30 =	spop (v2sf)  }
0x98: {  	s19 =	sadd.f32 s19, s30  }
0x99: {  	s31 =	spop (v2sf)  }
0x9a: {  	s19 =	sadd.f32 s19, s31;
	_ =	sdelay $0x1  }
0x9b: {  	v0 =	vmov s19  }
0x9c: {  	v0 =	vmax.f32 v0, $9.999999970e-07  }
0x9d: {  	v0 =	vbroadcast v0, $0x0;
	_ =	sdelay $0x1  }
0x9e: {  	(erf) = vrcp.f32 v0;
	_ =	sdelay $0x6  }
0x9f: {  	s19 =	simm.s32 $0x0  }
0xa0: {  	v0 =	vld [tilespmem:s19+$0x2080]  }
0xa1: {  	v2 =	vld [tilespmem:s19+$0x2081];
	v1 =	vpop (erf)  }
0xa2: {  	v3 =	vld [tilespmem:s19+$0x2082];
	v1 =	vmul.f32 $2.560000000e+02, v1;
	_ =	sdelay $0x1  }
0xa3: {  	v4 =	vld [tilespmem:s19+$0x2083];
	v1 =	vmin.f32 v1, $1.000000000e+00  }
0xa4: {  	v0 =	vmul.f32 v0, v1  }
0xa5: {  	s20 =	simm.s32 $0x10  }
0xa6: {  	v6 =	vld [tilespmem:s20+$0x2080];
	v2 =	vmul.f32 v2, v1;
	v3 =	vmul.f32 v3, v1;
	v5 =	vadd.f32 $1.000000000e+00, v0;
	_ =	sdelay $0x1  }
0xa7: {  	v7 =	vld [tilespmem:s20+$0x2081];
	v4 =	vmul.f32 v4, v1;
	v2 =	vadd.f32 v2, v5;
	v5 =	vadd.f32 $1.000000000e+00, v3  }
0xa8: {  	v8 =	vld [tilespmem:s20+$0x2082]  }
0xa9: {  	v4 =	vadd.f32 v4, v5;
	(erf) = vrcp.f32 v2  }
0xaa: {  	v9 =	vmul.f32 v6, v1;
	v2 =	vld [tilespmem:s20+$0x2083]  }
0xab: {  	(erf) = vrcp.f32 v4  }
0xac: {  	s21 =	simm.s32 $0x20;
	v5 =	vadd.f32 $1.000000000e+00, v9;
	v4 =	vmul.f32 v7, v1  }
0xad: {  	v7 =	vmul.f32 v8, v1;
	v8 =	vld [tilespmem:s21+$0x2080]  }
0xae: {  	v10 =	vld [tilespmem:s21+$0x2082];
	v4 =	vadd.f32 v4, v5  }
0xaf: {  	v6 =	vld [tilespmem:s21+$0x2081];
	v5 =	vadd.f32 $1.000000000e+00, v7;
	v2 =	vmul.f32 v2, v1;
	_ =	sdelay $0x1  }
0xb0: {  	(erf) = vrcp.f32 v4;
	v2 =	vadd.f32 v2, v5  }
0xb1: {  	v11 =	vld [tilespmem:s21+$0x2083];
	v5 =	vmul.f32 v8, v1;
	v4 =	vpop (erf)  }
0xb2: {  	(erf) = vrcp.f32 v2;
	v2 =	vadd.f32 v4, v4  }
0xb3: {  	v4 =	vmul.f32 v6, v1;
	v6 =	vmul.f32 v10, v1;
	v10 =	vadd.f32 $1.000000000e+00, v5;
	v8 =	vpop (erf)  }
0xb4: {  	v2 =	vmin.f32 v2, $1.000000000e+00;
	v8 =	vadd.f32 v8, v8  }
0xb5: {  	s22 =	simm.s32 $0x30;
	v4 =	vadd.f32 v4, v10;
	v0 =	vmul.f32 v2, v0  }
0xb6: {  	v11 =	vmul.f32 v11, v1;
	v10 =	vadd.f32 $1.000000000e+00, v6;
	v2 =	vld [tilespmem:s22+$0x2080];
	v8 =	vmin.f32 v8, $1.000000000e+00  }
0xb7: {  	v12 =	vld [tilespmem:s22+$0x2082];
	v3 =	vmul.f32 v8, v3;
	v8 =	vadd.f32 $1.000000000e+00, v0  }
0xb8: {  	v13 =	vld [tilespmem:s22+$0x2081];
	v10 =	vadd.f32 v11, v10  }
0xb9: {  	(erf) = vrcp.f32 v4;
	v11 =	vld [tilespmem:s22+$0x2083];
	v4 =	vpop (erf);
	v3 =	vadd.f32 v3, v8  }
0xba: {  	(erf) = vrcp.f32 v10;
	v8 =	vadd.f32 v4, v4  }
0xbb: {  	v4 =	vmul.f32 v2, v1;
	v2 =	vpop (erf);
	(erf) = vrcp.f32 v3  }
0xbc: {  	s23 =	simm.s32 $0x40;
	v3 =	vmul.f32 v12, v1;
	v8 =	vmin.f32 v8, $1.000000000e+00;
	v12 =	vadd.f32 v2, v2  }
0xbd: {  	v15 =	vld [tilespmem:s23+$0x2080];
	v13 =	vmul.f32 v13, v1;
	v14 =	vadd.f32 $1.000000000e+00, v4;
	v2 =	vmul.f32 v8, v9  }
0xbe: {  	v10 =	vld [tilespmem:s23+$0x2081];
	v8 =	vmul.f32 v11, v1;
	v11 =	vadd.f32 $1.000000000e+00, v3;
	v12 =	vmin.f32 v12, $1.000000000e+00  }
0xbf: {  	v9 =	vld [tilespmem:s23+$0x2082];
	v13 =	vadd.f32 v13, v14;
	v7 =	vmul.f32 v12, v7;
	v12 =	vadd.f32 $1.000000000e+00, v2  }
0xc0: {  	v8 =	vadd.f32 v8, v11  }
0xc1: {  	(erf) = vrcp.f32 v13;
	v13 =	vadd.f32 v7, v12;
	v12 =	vld [tilespmem:s23+$0x2083]  }
0xc2: {  	v11 =	vpop (erf);
	(erf) = vrcp.f32 v8  }
0xc3: {  	v7 =	vmul.f32 v15, v1;
	v14 =	vadd.f32 v11, v11;
	(erf) = vrcp.f32 v13  }
0xc4: {  	s24 =	simm.s32 $0x50;
	v10 =	vmul.f32 v10, v1;
	v8 =	vmul.f32 v9, v1;
	v9 =	vpop (erf)  }
0xc5: {  	s25 =	simm.s32 $0x180;
	v11 =	vld [tilespmem:s24+$0x2081];
	v13 =	vadd.f32 $1.000000000e+00, v7;
	v15 =	vmin.f32 v14, $1.000000000e+00;
	v14 =	vadd.f32 v9, v9;
	v9 =	vpop (erf)  }
.LBB2_4:
0xc6: {  	p1 =	sne.s32 s25, $0x7FC0;
	v16 =	vld [tilespmem:s24+$0x2080];
	v17 =	vmul.f32 v12, v1;
	v15 =	vmul.f32 v15, v5;
	v9 =	vadd.f32 v9, v9;
	v5 =	vmovc v4  }
0xc7: {  	v4 =	vmovc v7;
	v18 =	vld [tilespmem:s24+$0x2082];
	v10 =	vadd.f32 v10, v13;
	v13 =	vadd.f32 $1.000000000e+00, v8;
	v12 =	vmin.f32 v14, $1.000000000e+00  }
0xc8: {  	v7 =	vmul.f32 v12, v6;
	v14 =	vadd.f32 $1.000000000e+00, v15;
	v9 =	vmin.f32 v9, $1.000000000e+00;
	v6 =	vmovc v3;
	v3 =	vmovc v8  }
.Ltmp1:
0xc9: {  	v12 =	vld [tilespmem:s24+$0x2083];
	v8 =	vadd.f32 v17, v13;
	(erf) = vrcp.f32 v10;
	v17 =	vmul.f32 v9, v0;
	v0 =	vmovc v2;
	v2 =	vmovc v15;
	(pc) =	sbr.rel @p1 .LBB2_4-.Ltmp1, $4  }
0xca: {  	v10 =	vmul.f32 v11, v1;
	v11 =	vpop (erf);
	v13 =	vadd.f32 v7, v14  }
0xcb: {  	v7 =	vmul.f32 v16, v1;
	(erf) = vrcp.f32 v8;
	v14 =	vadd.f32 v11, v11;
	[tilespmem:s19+$0x4100] =	vst v17;
	s19 =	smov.u32 s20;
	s20 =	smov.u32 s21;
	s21 =	smov.u32 s22  }
0xcc: {  	s22 =	smov.u32 s23;
	s23 =	smov.u32 s24;
	s24 =	sshra.s32 s25, $0x2;
	v8 =	vmul.f32 v18, v1;
	v9 =	vpop (erf);
	(erf) = vrcp.f32 v13  }
0xcd: {  	s25 =	sadd.s32 $0x40, s25;
	v13 =	vadd.f32 $1.000000000e+00, v7;
	v15 =	vmin.f32 v14, $1.000000000e+00;
	v14 =	vadd.f32 v9, v9;
	v11 =	vld [tilespmem:s24+$0x2081];
	v9 =	vpop (erf)  }
0xce: {  	v16 =	vld [tilespmem:s24+$0x2080];
	_ =	sdelay $0x1  }
0xcf: {  	v17 =	vld [tilespmem:s24+$0x2082]  }
0xd0: {  	v12 =	vmul.f32 v12, v1;
	v5 =	vmul.f32 v15, v5  }
0xd1: {  	v20 =	vadd.f32 $1.000000000e+00, v8;
	v21 =	vld [tilespmem:s24+$0x2083];
	v10 =	vadd.f32 v10, v13;
	v14 =	vmin.f32 v14, $1.000000000e+00  }
0xd2: {  	v6 =	vmul.f32 v14, v6;
	v22 =	vmul.f32 v16, v1  }
0xd3: {  	v23 =	vadd.f32 $1.000000000e+00, v5;
	v12 =	vadd.f32 v12, v20;
	(erf) = vrcp.f32 v10  }
0xd4: {  	v24 =	vmul.f32 v11, v1;
	v25 =	vmul.f32 v17, v1;
	v26 =	vadd.f32 $1.000000000e+00, v22  }
0xd5: {  	v6 =	vadd.f32 v6, v23;
	(erf) = vrcp.f32 v12  }
0xd6: {  	v27 =	vmul.f32 v21, v1;
	v28 =	vadd.f32 $1.000000000e+00, v25;
	v10 =	vadd.f32 v24, v26  }
0xd7: {  	(erf) = vrcp.f32 v6  }
0xd8: {  	v1 =	vadd.f32 v27, v28;
	(erf) = vrcp.f32 v10;
	_ =	sdelay $0x1  }
0xd9: {  	(erf) = vrcp.f32 v1  }
0xda: {  	v29 =	vpop (erf)  }
0xdb: {  	v30 =	vpop (erf)  }
0xdc: {  	v31 =	vpop (erf)  }
0xdd: {  	v32 =	vpop (erf)  }
0xde: {  	v6 =	vadd.f32 v30, v30;
	v33 =	vpop (erf)  }
0xdf: {  	v1 =	vadd.f32 v29, v29;
	v34 =	vpop (erf)  }
0xe0: {  	v36 =	vmin.f32 v6, $1.000000000e+00;
	v12 =	vadd.f32 v32, v32;
	v35 =	vpop (erf)  }
0xe1: {  	v3 =	vmul.f32 v36, v3;
	v1 =	vmin.f32 v1, $1.000000000e+00;
	v37 =	vadd.f32 v35, v35  }
0xe2: {  	v39 =	vadd.f32 v33, v33;
	v1 =	vmul.f32 v1, v4;
	v38 =	vmin.f32 v12, $1.000000000e+00;
	v40 =	vpop (erf)  }
0xe3: {  	v4 =	vmul.f32 v38, v7;
	v41 =	vadd.f32 v40, v40;
	v6 =	vmin.f32 v37, $1.000000000e+00  }
0xe4: {  	v12 =	vmin.f32 v39, $1.000000000e+00;
	v42 =	vadd.f32 $1.000000000e+00, v1;
	v6 =	vmul.f32 v6, v22  }
0xe5: {  	v43 =	vmul.f32 v12, v8;
	v44 =	vadd.f32 $1.000000000e+00, v4;
	v7 =	vmin.f32 v41, $1.000000000e+00  }
0xe6: {  	v3 =	vadd.f32 v3, v42;
	v7 =	vmul.f32 v7, v25;
	v45 =	vadd.f32 $1.000000000e+00, v6  }
0xe7: {  	v8 =	vadd.f32 v43, v44  }
0xe8: {  	(erf) = vrcp.f32 v3;
	v46 =	vadd.f32 v7, v45  }
0xe9: {  	(erf) = vrcp.f32 v8  }
0xea: {  	(erf) = vrcp.f32 v46;
	_ =	sdelay $0x4  }
0xeb: {  	v47 =	vadd.f32 v9, v9  }
0xec: {  	v48 =	vadd.f32 v31, v31  }
0xed: {  	v49 =	vadd.f32 v34, v34;
	v3 =	vmin.f32 v47, $1.000000000e+00;
	v50 =	vpop (erf)  }
0xee: {  	v51 =	vmin.f32 v48, $1.000000000e+00;
	v0 =	vmul.f32 v3, v0;
	v52 =	vadd.f32 v50, v50;
	v53 =	vpop (erf)  }
0xef: {  	v2 =	vmul.f32 v51, v2;
	v54 =	vmin.f32 v49, $1.000000000e+00;
	v55 =	vadd.f32 v53, v53;
	v56 =	vpop (erf)  }
0xf0: {  	v57 =	vmul.f32 v54, v5;
	[tilespmem:s19+$0x4100] =	vst v0;
	v58 =	vmin.f32 v52, $1.000000000e+00;
	v59 =	vadd.f32 v56, v56  }
0xf1: {  	[tilespmem:s20+$0x4100] =	vst v2;
	v1 =	vmul.f32 v58, v1;
	v60 =	vmin.f32 v55, $1.000000000e+00  }
0xf2: {  	[tilespmem:s21+$0x4100] =	vst v57;
	v61 =	vmul.f32 v60, v4;
	v62 =	vmin.f32 v59, $1.000000000e+00  }
0xf3: {  	[tilespmem:s22+$0x4100] =	vst v1;
	v63 =	vmul.f32 v62, v6  }
0xf4: {  	[tilespmem:s23+$0x4100] =	vst v61  }
0xf5: {  	[tilespmem:s24+$0x4100] =	vst v63  }
0xf6: {  	v0 =	vld @!p0 [tilespmem:$0x4100];
	_ =	sdelay $0x2  }
0xf7: {  	v1 =	vlaneseq.u32 @!p0  }
0xf8: {  	s18 =	sadd.s32 $0x1, s18;
	vm0 =	veq.s32 @!p0 v1, $0x0  }
0xf9: {  	p1 =	sne.s32 s18, s12;
	v0 =	vsel @!p0 vm0, $0x0, v0  }
.Ltmp2:
0xfa: {  	[tilespmem:$0x4100] =	vst @!p0 v0;
	(pc) =	sbr.rel @p1 .LBB2_1-.Ltmp2, $4  }
0xfb: {  	[hbm4b:s11+s2] =	stream.linear.scatter [tilespmem:s17], [sflag:$0x1], $0x2000, $0x38;
	[tilespmem:$0x6218] =	vst v63  }
0xfc: {  	_ =	swait.ge [sflag:s14], $0x2000  }
0xfd: {  	[sflag:s14] =	ssyncset.done $0x0  }
0xfe: {  	[sflag:s14] =	ssyncadd.s32 $0xFFFFE000  }
0xff: {  	_ =	sfence.sel $0x180000  }
0x100: {  	[bflag:$0x0] =	sbarrier.arrive $0xFFFF  }
0x101: {  	p0 =	sne.s32 s1, $0x0;
	_ =	strace $0x90000047  }
0x102: {  	s0 =	sadd.s32 @!p0 $0x100000, s0;
	[bflag:$0x2] =	sbarrier.arrive $0xFFFF  }
0x103: {  	[sflag:s0] =	ssyncadd.tile.s32 @!p0 $0x1;
	_ =	shalt  }
.Lfunc_end2:
_tile_overlayer_lowered:
.L_overlay_start_2:
0x104: {  	(tag) =	ssettag $0x2  }
0x105: {  	s0 =	rddreg [dreg:$0x0];
	s2 =	stileid.u32  }
0x106: {  	s1 =	rddreg [dreg:$0x1];
	p0 =	sne.s32 s2, $0x0  }
0x107: {  	s3 =	rddreg [dreg:$0x2];
	[bflag:$0x3] =	sbarrier.arrive $0xFFFF;
	s2 =	simm.s32 @!p0 $0x1C01  }
0x108: {  	[timem:s3], [sflag:s2] =	dma.local @!p0 [hbm:s0], s1  }
0x109: {  	s0 =	simm.s32 @!p0 $0x1  }
0x10a: {  	_ =	swait.ge @!p0 [sflag:s0], s1  }
0x10b: {  	s1 =	ssub.s32 @!p0 $0x0, s1;
	[sflag:s0] =	ssyncset.done @!p0 $0x0  }
0x10c: {  	[sflag:s0] =	ssyncadd.s32 @!p0 s1  }
0x10d: {  	[bflag:$0x3] =	sbarrier.arrive $0xFFFF  }
0x10e: {  	_ =	shalt  }

</sc_bundles>
